<compile_context>
chip_gen: v7x
topology: tpu7x:2x2x1
jax: 0.10.2.dev20260603
libtpu: 0.0.44.dev20260713+nightly
codegen_flags: <defaults>
</compile_context>

<pallas_src>
import functools

import jax
import jax.numpy as jnp
from jax import lax
from jax.experimental import pallas as pl
from jax.experimental.pallas import tpu as pltpu
from jax.experimental.pallas import tpu_sc as plsc

NUM_FIELDS = 26
VOCAB = 100000
HIDDEN = 64
BATCH = 16384

CHUNK = 128
NC = 2
NS = 16
NW = NC * NS
ROWW = 2 * HIDDEN
NGROUP = 2
NFG = NUM_FIELDS // NGROUP

_MESH = plsc.VectorSubcoreMesh(core_axis_name="c", subcore_axis_name="s")



_VBT = 8192


def _tp_body(in_ref, o_ref):
    x = in_ref[...]
    eye2 = jnp.concatenate(
        [jnp.eye(HIDDEN, dtype=jnp.float32)] * 2, axis=1)
    t2 = lax.dot_general(x, eye2, (((0,), (0,)), ((), ())),
                         preferred_element_type=jnp.float32)
    o_ref[0] = t2


def _transpose_tables(tab_t_g):
    out3 = pl.pallas_call(
        _tp_body,
        grid=(NFG, pl.cdiv(VOCAB, _VBT)),
        in_specs=[pl.BlockSpec((HIDDEN, _VBT), lambda i, v: (i, v))],
        out_specs=pl.BlockSpec((1, _VBT, ROWW), lambda i, v: (i, v, 0)),
        out_shape=jax.ShapeDtypeStruct((NFG, VOCAB, ROWW), jnp.float32),
    )(tab_t_g)
    return out3.reshape(NFG * VOCAB, ROWW)



BF_G = BATCH * NFG
N_CHUNKS_G = BF_G // CHUNK
CPW = N_CHUNKS_G // NW


@functools.partial(
    pl.kernel,
    mesh=_MESH,
    out_type=jax.ShapeDtypeStruct((BF_G, HIDDEN), jnp.float32),
    scratch_types=[
        pltpu.VMEM((CPW, CHUNK), jnp.int32),
        pltpu.VMEM((4, CHUNK, ROWW), jnp.float32),
        pltpu.SemaphoreType.DMA,
    ],
    compiler_params=pltpu.CompilerParams(use_tc_tiling_on_sc=False),
)
def _sc_gather(tab_hbm, idx_hbm, out_hbm, idx_v, rows_v, gsem):
    wid = lax.axis_index("s") * NC + lax.axis_index("c")
    cbase = wid * CPW
    pltpu.sync_copy(idx_hbm.at[pl.ds(cbase, CPW)], idx_v)

    def body(jj, carry):
        j0 = jj * 4
        cps = [
            pltpu.async_copy(tab_hbm.at[idx_v.at[j0 + u]], rows_v.at[u], gsem)
            for u in range(4)
        ]
        for cp in cps:
            cp.wait()
        for u in range(4):
            pltpu.sync_copy(
                rows_v.at[u, :, pl.ds(0, HIDDEN)],
                out_hbm.at[pl.ds((cbase + j0 + u) * CHUNK, CHUNK)])
        return carry

    lax.fori_loop(0, CPW // 4, body, 0)



_BM = 8192


def _mm_body(g_ref, w_ref, b_ref, o_ref):
    k = pl.program_id(1)
    acc = jnp.dot(g_ref[0], w_ref[0], preferred_element_type=jnp.float32)

    @pl.when(k == 0)
    def _init():
        o_ref[...] = acc + b_ref[...]

    @pl.when(k != 0)
    def _acc():
        o_ref[...] += acc


def _tc_project(g3, Wd, b2):
    return pl.pallas_call(
        _mm_body,
        grid=(BATCH // 2 // _BM, NFG),
        in_specs=[
            pl.BlockSpec((1, _BM, ROWW), lambda i, k: (k, i, 0)),
            pl.BlockSpec((1, ROWW, ROWW), lambda i, k: (k, 0, 0)),
            pl.BlockSpec((1, ROWW), lambda i, k: (0, 0)),
        ],
        out_specs=pl.BlockSpec((_BM, ROWW), lambda i, k: (i, 0)),
        out_shape=jax.ShapeDtypeStruct((BATCH // 2, ROWW), jnp.float32),
    )(g3, Wd, b2.reshape(1, ROWW))


def kernel(x, tables, W, b):
    tab_t = tables.transpose(0, 2, 1).reshape(NUM_FIELDS * HIDDEN, VOCAB)
    xt = x.T.astype(jnp.int32)
    offs = jnp.arange(NFG, dtype=jnp.int32) * VOCAB
    Wr = W.reshape(NUM_FIELDS, HIDDEN, HIDDEN)
    Wd = jnp.einsum("pq,iab->ipaqb", jnp.eye(2, dtype=jnp.float32),
                    Wr).reshape(NUM_FIELDS, ROWW, ROWW)
    b2 = jnp.concatenate([b, b])
    z2 = jnp.zeros_like(b2)

    outs = []
    for g in range(NGROUP):
        tab_g = _transpose_tables(tab_t[g * NFG * HIDDEN:(g + 1) * NFG * HIDDEN])
        idx_g = (xt[g * NFG:(g + 1) * NFG] + offs[:, None]).reshape(
            N_CHUNKS_G, CHUNK)
        gathered = _sc_gather(tab_g, idx_g)
        g3 = gathered.reshape(NFG, BATCH // 2, ROWW)
        outs.append(_tc_project(g3, Wd[g * NFG:(g + 1) * NFG],
                                b2 if g == 0 else z2))

    out_pairs = outs[0]
    for o in outs[1:]:
        out_pairs = out_pairs + o
    return out_pairs.reshape(BATCH, HIDDEN)

# --- scband reference (transcript-rebuilt; emitter-appended) ---
"""Pipeline reference for scband-feature-concat-encoder-6064493822397 (READ-ONLY COPY).

The authoritative reference and input builder live on the scoring server;
editing this copy changes nothing except your own understanding.
"""

import jax, jax.numpy as jnp
import numpy as np

NUM_FIELDS = 26
VOCAB = 100000
HIDDEN = 64
BATCH = 16384


def setup_inputs(seed: int = 0) -> dict:
    key = jax.random.key(seed)
    k_idx, k_tab, k_w, k_b = jax.random.split(key, 4)
    x = jax.random.randint(k_idx, (BATCH, NUM_FIELDS), 0, VOCAB, dtype=jnp.int64 if jax.config.jax_enable_x64 else jnp.int32)
    # 26 embedding tables, same shape, stacked into one array [F, V, H]
    tables = jax.random.normal(k_tab, (NUM_FIELDS, VOCAB, HIDDEN), dtype=jnp.float32)
    # projection Linear(26*64 -> 64)
    fan_in = NUM_FIELDS * HIDDEN
    bound = 1.0 / np.sqrt(fan_in)
    W = jax.random.uniform(k_w, (fan_in, HIDDEN), minval=-bound, maxval=bound, dtype=jnp.float32)
    b = jax.random.uniform(k_b, (HIDDEN,), minval=-bound, maxval=bound, dtype=jnp.float32)
    return {"x": x, "tables": tables, "W": W, "b": b}


def reference(x, tables, W, b):
    # Per-field embedding lookup (gather), mirrors nn.Embedding per field
    x_embeddings = []
    for i in range(NUM_FIELDS):
        emb_i = jnp.take(tables[i], x[..., i], axis=0)  # [B, H]
        x_embeddings.append(emb_i)
    cat = jnp.concatenate(x_embeddings, axis=-1)  # [B, F*H]
    out = cat @ W + b  # Linear projection -> [B, H]
    return out

if __name__ == "__main__":
    import jax
    _d = setup_inputs()
    print(jax.jit(kernel)(*tuple(_d.values())))

</pallas_src>

<mosaic_0001>
#map = affine_map<(d0, d1) -> (0, 0)>
module attributes {stable_mosaic.version = 14 : i64} {
  func.func @_sc_gather(%arg0: i32, %arg1: i32, %arg2: memref<1300000x128xf32, #tpu.memory_space<hbm>>, %arg3: memref<1664x128xi32, #tpu.memory_space<hbm>>, %arg4: memref<212992x64xf32, #tpu.memory_space<hbm>>, %arg5: memref<52x128xi32, #tpu.memory_space<vmem>>, %arg6: memref<4x128x128xf32, #tpu.memory_space<vmem>>, %arg7: memref<!tpu.dma_semaphore, #tpu.memory_space<semaphore_mem>>) attributes {dimension_semantics = [#tpu.dimension_semantics<core_parallel>, #tpu.dimension_semantics<subcore_parallel>], iteration_bounds = array<i64: 2, 16>, scalar_prefetch = 0 : i64, scratch_operands = 3 : i64, tpu.core_type = #tpu.core_type<sc_vector_subcore>, window_params = [{transform_indices = #map}, {transform_indices = #map}, {transform_indices = #map}]} {
    %mul3A = arith.constant 2 : i32
    %mul3A_0 = arith.muli %arg1, %mul3A : i32
    %add3A = arith.addi %mul3A_0, %arg0 : i32
    %mul3A_1 = arith.constant 52 : i32
    %mul3A_2 = arith.muli %add3A, %mul3A_1 : i32
    "tpu.region"() ({
      %run_scoped3A = tpu.sem_alloc : memref<!tpu.dma_semaphore, #tpu.memory_space<semaphore_mem>>
      %dma_start3A = arith.constant 0 : i32
      %dma_start3A_8 = tpu.memref_slice %arg3[%mul3A_2, %dma_start3A] : memref<1664x128xi32, #tpu.memory_space<hbm>> -> memref<52x128xi32, #tpu.memory_space<hbm>>
      %dma_start3A_9 = arith.constant 0 : i32
      %dma_start3A_10 = tpu.memref_slice %arg3[%mul3A_2, %dma_start3A_9] : memref<1664x128xi32, #tpu.memory_space<hbm>> -> memref<52x128xi32, #tpu.memory_space<hbm>>
      tpu.enqueue_dma source(%dma_start3A_10 : memref<52x128xi32, #tpu.memory_space<hbm>>) target(%arg5 : memref<52x128xi32, #tpu.memory_space<vmem>>) target_semaphore(%run_scoped3A : memref<!tpu.dma_semaphore, #tpu.memory_space<semaphore_mem>>)
      %dma_wait3A = arith.constant 0 : i32
      %dma_wait3A_11 = tpu.memref_slice %arg3[%mul3A_2, %dma_wait3A] : memref<1664x128xi32, #tpu.memory_space<hbm>> -> memref<52x128xi32, #tpu.memory_space<hbm>>
      %dma_wait3A_12 = arith.constant 0 : i32
      %dma_wait3A_13 = tpu.memref_slice %arg3[%mul3A_2, %dma_wait3A_12] : memref<1664x128xi32, #tpu.memory_space<hbm>> -> memref<52x128xi32, #tpu.memory_space<hbm>>
      tpu.wait_dma2 semaphore(%run_scoped3A : memref<!tpu.dma_semaphore, #tpu.memory_space<semaphore_mem>>) src(%dma_wait3A_13 : memref<52x128xi32, #tpu.memory_space<hbm>>) dst(%arg5 : memref<52x128xi32, #tpu.memory_space<vmem>>)
      tpu.yield
    }) : () -> ()
    %scan3A = arith.constant 0 : i32
    %scan3A_3 = arith.constant 0 : i32
    %scan3A_4 = arith.constant 13 : i32
    %scan3A_5 = arith.addi %scan3A_3, %scan3A_4 : i32
    %scan3A_6 = arith.constant 1 : i32
    scf.for %scan3A_8 = %scan3A_3 to %scan3A_5 step %scan3A_6  : i32 {
      %mul3A_9 = arith.constant 4 : i32
      %mul3A_10 = arith.muli %scan3A_8, %mul3A_9 : i32
      %add3A_11 = arith.constant 0 : i32
      %add3A_12 = arith.addi %mul3A_10, %add3A_11 : i32
      %dma_start3A = arith.constant 0 : i32
      %dma_start3A_13 = arith.constant 0 : i32
      %dma_start3A_14 = arith.constant 0 : i32
      %dma_start3A_15 = tpu.memref_slice %arg6[%dma_start3A, %dma_start3A_13, %dma_start3A_14] : memref<4x128x128xf32, #tpu.memory_space<vmem>> -> memref<1x128x128xf32, #tpu.memory_space<vmem>>
      %dma_start3A_16 = tpu.memref_squeeze %dma_start3A_15 : memref<1x128x128xf32, #tpu.memory_space<vmem>> -> memref<128x128xf32, #tpu.memory_space<vmem>>
      %dma_start3A_17 = arith.constant 0 : i32
      %dma_start3A_18 = tpu.memref_slice %arg5[%add3A_12, %dma_start3A_17] : memref<52x128xi32, #tpu.memory_space<vmem>> -> memref<1x128xi32, #tpu.memory_space<vmem>>
      %dma_start3A_19 = tpu.memref_squeeze %dma_start3A_18 : memref<1x128xi32, #tpu.memory_space<vmem>> -> memref<128xi32, #tpu.memory_space<vmem>>
      %dma_start3A_20 = arith.constant 0 : i32
      %dma_start3A_21 = arith.constant 0 : i32
      %dma_start3A_22 = tpu.memref_slice %arg2[%dma_start3A_20, %dma_start3A_21] : memref<1300000x128xf32, #tpu.memory_space<hbm>> -> memref<1300000x128xf32, #tpu.memory_space<hbm>>
      tpu.enqueue_indirect_dma source(%dma_start3A_22 : memref<1300000x128xf32, #tpu.memory_space<hbm>>) target(%dma_start3A_16 : memref<128x128xf32, #tpu.memory_space<vmem>>) offsets(%dma_start3A_19 : memref<128xi32, #tpu.memory_space<vmem>>) semaphore(%arg7 : memref<!tpu.dma_semaphore, #tpu.memory_space<semaphore_mem>>)
      %add3A_23 = arith.constant 1 : i32
      %add3A_24 = arith.addi %mul3A_10, %add3A_23 : i32
      %dma_start3A_25 = arith.constant 1 : i32
      %dma_start3A_26 = arith.constant 0 : i32
      %dma_start3A_27 = arith.constant 0 : i32
      %dma_start3A_28 = tpu.memref_slice %arg6[%dma_start3A_25, %dma_start3A_26, %dma_start3A_27] : memref<4x128x128xf32, #tpu.memory_space<vmem>> -> memref<1x128x128xf32, #tpu.memory_space<vmem>>
      %dma_start3A_29 = tpu.memref_squeeze %dma_start3A_28 : memref<1x128x128xf32, #tpu.memory_space<vmem>> -> memref<128x128xf32, #tpu.memory_space<vmem>>
      %dma_start3A_30 = arith.constant 0 : i32
      %dma_start3A_31 = tpu.memref_slice %arg5[%add3A_24, %dma_start3A_30] : memref<52x128xi32, #tpu.memory_space<vmem>> -> memref<1x128xi32, #tpu.memory_space<vmem>>
      %dma_start3A_32 = tpu.memref_squeeze %dma_start3A_31 : memref<1x128xi32, #tpu.memory_space<vmem>> -> memref<128xi32, #tpu.memory_space<vmem>>
      %dma_start3A_33 = arith.constant 0 : i32
      %dma_start3A_34 = arith.constant 0 : i32
      %dma_start3A_35 = tpu.memref_slice %arg2[%dma_start3A_33, %dma_start3A_34] : memref<1300000x128xf32, #tpu.memory_space<hbm>> -> memref<1300000x128xf32, #tpu.memory_space<hbm>>
      tpu.enqueue_indirect_dma source(%dma_start3A_35 : memref<1300000x128xf32, #tpu.memory_space<hbm>>) target(%dma_start3A_29 : memref<128x128xf32, #tpu.memory_space<vmem>>) offsets(%dma_start3A_32 : memref<128xi32, #tpu.memory_space<vmem>>) semaphore(%arg7 : memref<!tpu.dma_semaphore, #tpu.memory_space<semaphore_mem>>)
      %add3A_36 = arith.constant 2 : i32
      %add3A_37 = arith.addi %mul3A_10, %add3A_36 : i32
      %dma_start3A_38 = arith.constant 2 : i32
      %dma_start3A_39 = arith.constant 0 : i32
      %dma_start3A_40 = arith.constant 0 : i32
      %dma_start3A_41 = tpu.memref_slice %arg6[%dma_start3A_38, %dma_start3A_39, %dma_start3A_40] : memref<4x128x128xf32, #tpu.memory_space<vmem>> -> memref<1x128x128xf32, #tpu.memory_space<vmem>>
      %dma_start3A_42 = tpu.memref_squeeze %dma_start3A_41 : memref<1x128x128xf32, #tpu.memory_space<vmem>> -> memref<128x128xf32, #tpu.memory_space<vmem>>
      %dma_start3A_43 = arith.constant 0 : i32
      %dma_start3A_44 = tpu.memref_slice %arg5[%add3A_37, %dma_start3A_43] : memref<52x128xi32, #tpu.memory_space<vmem>> -> memref<1x128xi32, #tpu.memory_space<vmem>>
      %dma_start3A_45 = tpu.memref_squeeze %dma_start3A_44 : memref<1x128xi32, #tpu.memory_space<vmem>> -> memref<128xi32, #tpu.memory_space<vmem>>
      %dma_start3A_46 = arith.constant 0 : i32
      %dma_start3A_47 = arith.constant 0 : i32
      %dma_start3A_48 = tpu.memref_slice %arg2[%dma_start3A_46, %dma_start3A_47] : memref<1300000x128xf32, #tpu.memory_space<hbm>> -> memref<1300000x128xf32, #tpu.memory_space<hbm>>
      tpu.enqueue_indirect_dma source(%dma_start3A_48 : memref<1300000x128xf32, #tpu.memory_space<hbm>>) target(%dma_start3A_42 : memref<128x128xf32, #tpu.memory_space<vmem>>) offsets(%dma_start3A_45 : memref<128xi32, #tpu.memory_space<vmem>>) semaphore(%arg7 : memref<!tpu.dma_semaphore, #tpu.memory_space<semaphore_mem>>)
      %add3A_49 = arith.constant 3 : i32
      %add3A_50 = arith.addi %mul3A_10, %add3A_49 : i32
      %dma_start3A_51 = arith.constant 3 : i32
      %dma_start3A_52 = arith.constant 0 : i32
      %dma_start3A_53 = arith.constant 0 : i32
      %dma_start3A_54 = tpu.memref_slice %arg6[%dma_start3A_51, %dma_start3A_52, %dma_start3A_53] : memref<4x128x128xf32, #tpu.memory_space<vmem>> -> memref<1x128x128xf32, #tpu.memory_space<vmem>>
      %dma_start3A_55 = tpu.memref_squeeze %dma_start3A_54 : memref<1x128x128xf32, #tpu.memory_space<vmem>> -> memref<128x128xf32, #tpu.memory_space<vmem>>
      %dma_start3A_56 = arith.constant 0 : i32
      %dma_start3A_57 = tpu.memref_slice %arg5[%add3A_50, %dma_start3A_56] : memref<52x128xi32, #tpu.memory_space<vmem>> -> memref<1x128xi32, #tpu.memory_space<vmem>>
      %dma_start3A_58 = tpu.memref_squeeze %dma_start3A_57 : memref<1x128xi32, #tpu.memory_space<vmem>> -> memref<128xi32, #tpu.memory_space<vmem>>
      %dma_start3A_59 = arith.constant 0 : i32
      %dma_start3A_60 = arith.constant 0 : i32
      %dma_start3A_61 = tpu.memref_slice %arg2[%dma_start3A_59, %dma_start3A_60] : memref<1300000x128xf32, #tpu.memory_space<hbm>> -> memref<1300000x128xf32, #tpu.memory_space<hbm>>
      tpu.enqueue_indirect_dma source(%dma_start3A_61 : memref<1300000x128xf32, #tpu.memory_space<hbm>>) target(%dma_start3A_55 : memref<128x128xf32, #tpu.memory_space<vmem>>) offsets(%dma_start3A_58 : memref<128xi32, #tpu.memory_space<vmem>>) semaphore(%arg7 : memref<!tpu.dma_semaphore, #tpu.memory_space<semaphore_mem>>)
      %dma_wait3A = arith.constant 0 : i32
      %dma_wait3A_62 = arith.constant 0 : i32
      %dma_wait3A_63 = arith.constant 0 : i32
      %dma_wait3A_64 = tpu.memref_slice %arg6[%dma_wait3A, %dma_wait3A_62, %dma_wait3A_63] : memref<4x128x128xf32, #tpu.memory_space<vmem>> -> memref<1x128x128xf32, #tpu.memory_space<vmem>>
      %dma_wait3A_65 = tpu.memref_squeeze %dma_wait3A_64 : memref<1x128x128xf32, #tpu.memory_space<vmem>> -> memref<128x128xf32, #tpu.memory_space<vmem>>
      %dma_wait3A_66 = arith.constant 0 : i32
      %dma_wait3A_67 = tpu.memref_slice %arg5[%add3A_12, %dma_wait3A_66] : memref<52x128xi32, #tpu.memory_space<vmem>> -> memref<1x128xi32, #tpu.memory_space<vmem>>
      %dma_wait3A_68 = tpu.memref_squeeze %dma_wait3A_67 : memref<1x128xi32, #tpu.memory_space<vmem>> -> memref<128xi32, #tpu.memory_space<vmem>>
      %dma_wait3A_69 = arith.constant 0 : i32
      %dma_wait3A_70 = arith.constant 0 : i32
      %dma_wait3A_71 = tpu.memref_slice %arg2[%dma_wait3A_69, %dma_wait3A_70] : memref<1300000x128xf32, #tpu.memory_space<hbm>> -> memref<1300000x128xf32, #tpu.memory_space<hbm>>
      tpu.wait_indirect_dma semaphore(%arg7 : memref<!tpu.dma_semaphore, #tpu.memory_space<semaphore_mem>>) src(%dma_wait3A_71 : memref<1300000x128xf32, #tpu.memory_space<hbm>>) dst(%dma_wait3A_65 : memref<128x128xf32, #tpu.memory_space<vmem>>)
      %dma_wait3A_72 = arith.constant 1 : i32
      %dma_wait3A_73 = arith.constant 0 : i32
      %dma_wait3A_74 = arith.constant 0 : i32
      %dma_wait3A_75 = tpu.memref_slice %arg6[%dma_wait3A_72, %dma_wait3A_73, %dma_wait3A_74] : memref<4x128x128xf32, #tpu.memory_space<vmem>> -> memref<1x128x128xf32, #tpu.memory_space<vmem>>
      %dma_wait3A_76 = tpu.memref_squeeze %dma_wait3A_75 : memref<1x128x128xf32, #tpu.memory_space<vmem>> -> memref<128x128xf32, #tpu.memory_space<vmem>>
      %dma_wait3A_77 = arith.constant 0 : i32
      %dma_wait3A_78 = tpu.memref_slice %arg5[%add3A_24, %dma_wait3A_77] : memref<52x128xi32, #tpu.memory_space<vmem>> -> memref<1x128xi32, #tpu.memory_space<vmem>>
      %dma_wait3A_79 = tpu.memref_squeeze %dma_wait3A_78 : memref<1x128xi32, #tpu.memory_space<vmem>> -> memref<128xi32, #tpu.memory_space<vmem>>
      %dma_wait3A_80 = arith.constant 0 : i32
      %dma_wait3A_81 = arith.constant 0 : i32
      %dma_wait3A_82 = tpu.memref_slice %arg2[%dma_wait3A_80, %dma_wait3A_81] : memref<1300000x128xf32, #tpu.memory_space<hbm>> -> memref<1300000x128xf32, #tpu.memory_space<hbm>>
      tpu.wait_indirect_dma semaphore(%arg7 : memref<!tpu.dma_semaphore, #tpu.memory_space<semaphore_mem>>) src(%dma_wait3A_82 : memref<1300000x128xf32, #tpu.memory_space<hbm>>) dst(%dma_wait3A_76 : memref<128x128xf32, #tpu.memory_space<vmem>>)
      %dma_wait3A_83 = arith.constant 2 : i32
      %dma_wait3A_84 = arith.constant 0 : i32
      %dma_wait3A_85 = arith.constant 0 : i32
      %dma_wait3A_86 = tpu.memref_slice %arg6[%dma_wait3A_83, %dma_wait3A_84, %dma_wait3A_85] : memref<4x128x128xf32, #tpu.memory_space<vmem>> -> memref<1x128x128xf32, #tpu.memory_space<vmem>>
      %dma_wait3A_87 = tpu.memref_squeeze %dma_wait3A_86 : memref<1x128x128xf32, #tpu.memory_space<vmem>> -> memref<128x128xf32, #tpu.memory_space<vmem>>
      %dma_wait3A_88 = arith.constant 0 : i32
      %dma_wait3A_89 = tpu.memref_slice %arg5[%add3A_37, %dma_wait3A_88] : memref<52x128xi32, #tpu.memory_space<vmem>> -> memref<1x128xi32, #tpu.memory_space<vmem>>
      %dma_wait3A_90 = tpu.memref_squeeze %dma_wait3A_89 : memref<1x128xi32, #tpu.memory_space<vmem>> -> memref<128xi32, #tpu.memory_space<vmem>>
      %dma_wait3A_91 = arith.constant 0 : i32
      %dma_wait3A_92 = arith.constant 0 : i32
      %dma_wait3A_93 = tpu.memref_slice %arg2[%dma_wait3A_91, %dma_wait3A_92] : memref<1300000x128xf32, #tpu.memory_space<hbm>> -> memref<1300000x128xf32, #tpu.memory_space<hbm>>
      tpu.wait_indirect_dma semaphore(%arg7 : memref<!tpu.dma_semaphore, #tpu.memory_space<semaphore_mem>>) src(%dma_wait3A_93 : memref<1300000x128xf32, #tpu.memory_space<hbm>>) dst(%dma_wait3A_87 : memref<128x128xf32, #tpu.memory_space<vmem>>)
      %dma_wait3A_94 = arith.constant 3 : i32
      %dma_wait3A_95 = arith.constant 0 : i32
      %dma_wait3A_96 = arith.constant 0 : i32
      %dma_wait3A_97 = tpu.memref_slice %arg6[%dma_wait3A_94, %dma_wait3A_95, %dma_wait3A_96] : memref<4x128x128xf32, #tpu.memory_space<vmem>> -> memref<1x128x128xf32, #tpu.memory_space<vmem>>
      %dma_wait3A_98 = tpu.memref_squeeze %dma_wait3A_97 : memref<1x128x128xf32, #tpu.memory_space<vmem>> -> memref<128x128xf32, #tpu.memory_space<vmem>>
      %dma_wait3A_99 = arith.constant 0 : i32
      %dma_wait3A_100 = tpu.memref_slice %arg5[%add3A_50, %dma_wait3A_99] : memref<52x128xi32, #tpu.memory_space<vmem>> -> memref<1x128xi32, #tpu.memory_space<vmem>>
      %dma_wait3A_101 = tpu.memref_squeeze %dma_wait3A_100 : memref<1x128xi32, #tpu.memory_space<vmem>> -> memref<128xi32, #tpu.memory_space<vmem>>
      %dma_wait3A_102 = arith.constant 0 : i32
      %dma_wait3A_103 = arith.constant 0 : i32
      %dma_wait3A_104 = tpu.memref_slice %arg2[%dma_wait3A_102, %dma_wait3A_103] : memref<1300000x128xf32, #tpu.memory_space<hbm>> -> memref<1300000x128xf32, #tpu.memory_space<hbm>>
      tpu.wait_indirect_dma semaphore(%arg7 : memref<!tpu.dma_semaphore, #tpu.memory_space<semaphore_mem>>) src(%dma_wait3A_104 : memref<1300000x128xf32, #tpu.memory_space<hbm>>) dst(%dma_wait3A_98 : memref<128x128xf32, #tpu.memory_space<vmem>>)
      %add3A_105 = arith.addi %mul3A_2, %mul3A_10 : i32
      %add3A_106 = arith.constant 0 : i32
      %add3A_107 = arith.addi %add3A_105, %add3A_106 : i32
      %mul3A_108 = arith.constant 128 : i32
      %mul3A_109 = arith.muli %add3A_107, %mul3A_108 : i32
      %run_scoped3A = arith.constant 0 : i32
      "tpu.region"() ({
        %run_scoped3A_128 = tpu.sem_alloc : memref<!tpu.dma_semaphore, #tpu.memory_space<semaphore_mem>>
        %dma_start3A_129 = arith.constant 0 : i32
        %dma_start3A_130 = arith.constant 0 : i32
        %dma_start3A_131 = tpu.memref_slice %arg6[%run_scoped3A, %dma_start3A_129, %dma_start3A_130] : memref<4x128x128xf32, #tpu.memory_space<vmem>> -> memref<1x128x64xf32, #tpu.memory_space<vmem>>
        %dma_start3A_132 = tpu.memref_squeeze %dma_start3A_131 : memref<1x128x64xf32, #tpu.memory_space<vmem>> -> memref<128x64xf32, #tpu.memory_space<vmem>>
        %dma_start3A_133 = arith.constant 0 : i32
        %dma_start3A_134 = tpu.memref_slice %arg4[%mul3A_109, %dma_start3A_133] : memref<212992x64xf32, #tpu.memory_space<hbm>> -> memref<128x64xf32, #tpu.memory_space<hbm>>
        %dma_start3A_135 = arith.constant 0 : i32
        %dma_start3A_136 = tpu.memref_slice %arg4[%mul3A_109, %dma_start3A_135] : memref<212992x64xf32, #tpu.memory_space<hbm>> -> memref<128x64xf32, #tpu.memory_space<hbm>>
        %dma_start3A_137 = arith.constant 0 : i32
        %dma_start3A_138 = arith.constant 0 : i32
        %dma_start3A_139 = tpu.memref_slice %arg6[%run_scoped3A, %dma_start3A_137, %dma_start3A_138] : memref<4x128x128xf32, #tpu.memory_space<vmem>> -> memref<1x128x64xf32, #tpu.memory_space<vmem>>
        %dma_start3A_140 = tpu.memref_squeeze %dma_start3A_139 : memref<1x128x64xf32, #tpu.memory_space<vmem>> -> memref<128x64xf32, #tpu.memory_space<vmem>>
        tpu.enqueue_dma source(%dma_start3A_140 : memref<128x64xf32, #tpu.memory_space<vmem>>) target(%dma_start3A_136 : memref<128x64xf32, #tpu.memory_space<hbm>>) target_semaphore(%run_scoped3A_128 : memref<!tpu.dma_semaphore, #tpu.memory_space<semaphore_mem>>)
        %dma_wait3A_141 = arith.constant 0 : i32
        %dma_wait3A_142 = arith.constant 0 : i32
        %dma_wait3A_143 = tpu.memref_slice %arg6[%run_scoped3A, %dma_wait3A_141, %dma_wait3A_142] : memref<4x128x128xf32, #tpu.memory_space<vmem>> -> memref<1x128x64xf32, #tpu.memory_space<vmem>>
        %dma_wait3A_144 = tpu.memref_squeeze %dma_wait3A_143 : memref<1x128x64xf32, #tpu.memory_space<vmem>> -> memref<128x64xf32, #tpu.memory_space<vmem>>
        %dma_wait3A_145 = arith.constant 0 : i32
        %dma_wait3A_146 = tpu.memref_slice %arg4[%mul3A_109, %dma_wait3A_145] : memref<212992x64xf32, #tpu.memory_space<hbm>> -> memref<128x64xf32, #tpu.memory_space<hbm>>
        %dma_wait3A_147 = arith.constant 0 : i32
        %dma_wait3A_148 = tpu.memref_slice %arg4[%mul3A_109, %dma_wait3A_147] : memref<212992x64xf32, #tpu.memory_space<hbm>> -> memref<128x64xf32, #tpu.memory_space<hbm>>
        %dma_wait3A_149 = arith.constant 0 : i32
        %dma_wait3A_150 = arith.constant 0 : i32
        %dma_wait3A_151 = tpu.memref_slice %arg6[%run_scoped3A, %dma_wait3A_149, %dma_wait3A_150] : memref<4x128x128xf32, #tpu.memory_space<vmem>> -> memref<1x128x64xf32, #tpu.memory_space<vmem>>
        %dma_wait3A_152 = tpu.memref_squeeze %dma_wait3A_151 : memref<1x128x64xf32, #tpu.memory_space<vmem>> -> memref<128x64xf32, #tpu.memory_space<vmem>>
        tpu.wait_dma2 semaphore(%run_scoped3A_128 : memref<!tpu.dma_semaphore, #tpu.memory_space<semaphore_mem>>) src(%dma_wait3A_152 : memref<128x64xf32, #tpu.memory_space<vmem>>) dst(%dma_wait3A_148 : memref<128x64xf32, #tpu.memory_space<hbm>>)
        tpu.yield
      }) : () -> ()
      %add3A_110 = arith.addi %mul3A_2, %mul3A_10 : i32
      %add3A_111 = arith.constant 1 : i32
      %add3A_112 = arith.addi %add3A_110, %add3A_111 : i32
      %mul3A_113 = arith.constant 128 : i32
      %mul3A_114 = arith.muli %add3A_112, %mul3A_113 : i32
      %run_scoped3A_115 = arith.constant 1 : i32
      "tpu.region"() ({
        %run_scoped3A_128 = tpu.sem_alloc : memref<!tpu.dma_semaphore, #tpu.memory_space<semaphore_mem>>
        %dma_start3A_129 = arith.constant 0 : i32
        %dma_start3A_130 = arith.constant 0 : i32
        %dma_start3A_131 = tpu.memref_slice %arg6[%run_scoped3A_115, %dma_start3A_129, %dma_start3A_130] : memref<4x128x128xf32, #tpu.memory_space<vmem>> -> memref<1x128x64xf32, #tpu.memory_space<vmem>>
        %dma_start3A_132 = tpu.memref_squeeze %dma_start3A_131 : memref<1x128x64xf32, #tpu.memory_space<vmem>> -> memref<128x64xf32, #tpu.memory_space<vmem>>
        %dma_start3A_133 = arith.constant 0 : i32
        %dma_start3A_134 = tpu.memref_slice %arg4[%mul3A_114, %dma_start3A_133] : memref<212992x64xf32, #tpu.memory_space<hbm>> -> memref<128x64xf32, #tpu.memory_space<hbm>>
        %dma_start3A_135 = arith.constant 0 : i32
        %dma_start3A_136 = tpu.memref_slice %arg4[%mul3A_114, %dma_start3A_135] : memref<212992x64xf32, #tpu.memory_space<hbm>> -> memref<128x64xf32, #tpu.memory_space<hbm>>
        %dma_start3A_137 = arith.constant 0 : i32
        %dma_start3A_138 = arith.constant 0 : i32
        %dma_start3A_139 = tpu.memref_slice %arg6[%run_scoped3A_115, %dma_start3A_137, %dma_start3A_138] : memref<4x128x128xf32, #tpu.memory_space<vmem>> -> memref<1x128x64xf32, #tpu.memory_space<vmem>>
        %dma_start3A_140 = tpu.memref_squeeze %dma_start3A_139 : memref<1x128x64xf32, #tpu.memory_space<vmem>> -> memref<128x64xf32, #tpu.memory_space<vmem>>
        tpu.enqueue_dma source(%dma_start3A_140 : memref<128x64xf32, #tpu.memory_space<vmem>>) target(%dma_start3A_136 : memref<128x64xf32, #tpu.memory_space<hbm>>) target_semaphore(%run_scoped3A_128 : memref<!tpu.dma_semaphore, #tpu.memory_space<semaphore_mem>>)
        %dma_wait3A_141 = arith.constant 0 : i32
        %dma_wait3A_142 = arith.constant 0 : i32
        %dma_wait3A_143 = tpu.memref_slice %arg6[%run_scoped3A_115, %dma_wait3A_141, %dma_wait3A_142] : memref<4x128x128xf32, #tpu.memory_space<vmem>> -> memref<1x128x64xf32, #tpu.memory_space<vmem>>
        %dma_wait3A_144 = tpu.memref_squeeze %dma_wait3A_143 : memref<1x128x64xf32, #tpu.memory_space<vmem>> -> memref<128x64xf32, #tpu.memory_space<vmem>>
        %dma_wait3A_145 = arith.constant 0 : i32
        %dma_wait3A_146 = tpu.memref_slice %arg4[%mul3A_114, %dma_wait3A_145] : memref<212992x64xf32, #tpu.memory_space<hbm>> -> memref<128x64xf32, #tpu.memory_space<hbm>>
        %dma_wait3A_147 = arith.constant 0 : i32
        %dma_wait3A_148 = tpu.memref_slice %arg4[%mul3A_114, %dma_wait3A_147] : memref<212992x64xf32, #tpu.memory_space<hbm>> -> memref<128x64xf32, #tpu.memory_space<hbm>>
        %dma_wait3A_149 = arith.constant 0 : i32
        %dma_wait3A_150 = arith.constant 0 : i32
        %dma_wait3A_151 = tpu.memref_slice %arg6[%run_scoped3A_115, %dma_wait3A_149, %dma_wait3A_150] : memref<4x128x128xf32, #tpu.memory_space<vmem>> -> memref<1x128x64xf32, #tpu.memory_space<vmem>>
        %dma_wait3A_152 = tpu.memref_squeeze %dma_wait3A_151 : memref<1x128x64xf32, #tpu.memory_space<vmem>> -> memref<128x64xf32, #tpu.memory_space<vmem>>
        tpu.wait_dma2 semaphore(%run_scoped3A_128 : memref<!tpu.dma_semaphore, #tpu.memory_space<semaphore_mem>>) src(%dma_wait3A_152 : memref<128x64xf32, #tpu.memory_space<vmem>>) dst(%dma_wait3A_148 : memref<128x64xf32, #tpu.memory_space<hbm>>)
        tpu.yield
      }) : () -> ()
      %add3A_116 = arith.addi %mul3A_2, %mul3A_10 : i32
      %add3A_117 = arith.constant 2 : i32
      %add3A_118 = arith.addi %add3A_116, %add3A_117 : i32
      %mul3A_119 = arith.constant 128 : i32
      %mul3A_120 = arith.muli %add3A_118, %mul3A_119 : i32
      %run_scoped3A_121 = arith.constant 2 : i32
      "tpu.region"() ({
        %run_scoped3A_128 = tpu.sem_alloc : memref<!tpu.dma_semaphore, #tpu.memory_space<semaphore_mem>>
        %dma_start3A_129 = arith.constant 0 : i32
        %dma_start3A_130 = arith.constant 0 : i32
        %dma_start3A_131 = tpu.memref_slice %arg6[%run_scoped3A_121, %dma_start3A_129, %dma_start3A_130] : memref<4x128x128xf32, #tpu.memory_space<vmem>> -> memref<1x128x64xf32, #tpu.memory_space<vmem>>
        %dma_start3A_132 = tpu.memref_squeeze %dma_start3A_131 : memref<1x128x64xf32, #tpu.memory_space<vmem>> -> memref<128x64xf32, #tpu.memory_space<vmem>>
        %dma_start3A_133 = arith.constant 0 : i32
        %dma_start3A_134 = tpu.memref_slice %arg4[%mul3A_120, %dma_start3A_133] : memref<212992x64xf32, #tpu.memory_space<hbm>> -> memref<128x64xf32, #tpu.memory_space<hbm>>
        %dma_start3A_135 = arith.constant 0 : i32
        %dma_start3A_136 = tpu.memref_slice %arg4[%mul3A_120, %dma_start3A_135] : memref<212992x64xf32, #tpu.memory_space<hbm>> -> memref<128x64xf32, #tpu.memory_space<hbm>>
        %dma_start3A_137 = arith.constant 0 : i32
        %dma_start3A_138 = arith.constant 0 : i32
        %dma_start3A_139 = tpu.memref_slice %arg6[%run_scoped3A_121, %dma_start3A_137, %dma_start3A_138] : memref<4x128x128xf32, #tpu.memory_space<vmem>> -> memref<1x128x64xf32, #tpu.memory_space<vmem>>
        %dma_start3A_140 = tpu.memref_squeeze %dma_start3A_139 : memref<1x128x64xf32, #tpu.memory_space<vmem>> -> memref<128x64xf32, #tpu.memory_space<vmem>>
        tpu.enqueue_dma source(%dma_start3A_140 : memref<128x64xf32, #tpu.memory_space<vmem>>) target(%dma_start3A_136 : memref<128x64xf32, #tpu.memory_space<hbm>>) target_semaphore(%run_scoped3A_128 : memref<!tpu.dma_semaphore, #tpu.memory_space<semaphore_mem>>)
        %dma_wait3A_141 = arith.constant 0 : i32
        %dma_wait3A_142 = arith.constant 0 : i32
        %dma_wait3A_143 = tpu.memref_slice %arg6[%run_scoped3A_121, %dma_wait3A_141, %dma_wait3A_142] : memref<4x128x128xf32, #tpu.memory_space<vmem>> -> memref<1x128x64xf32, #tpu.memory_space<vmem>>
        %dma_wait3A_144 = tpu.memref_squeeze %dma_wait3A_143 : memref<1x128x64xf32, #tpu.memory_space<vmem>> -> memref<128x64xf32, #tpu.memory_space<vmem>>
        %dma_wait3A_145 = arith.constant 0 : i32
        %dma_wait3A_146 = tpu.memref_slice %arg4[%mul3A_120, %dma_wait3A_145] : memref<212992x64xf32, #tpu.memory_space<hbm>> -> memref<128x64xf32, #tpu.memory_space<hbm>>
        %dma_wait3A_147 = arith.constant 0 : i32
        %dma_wait3A_148 = tpu.memref_slice %arg4[%mul3A_120, %dma_wait3A_147] : memref<212992x64xf32, #tpu.memory_space<hbm>> -> memref<128x64xf32, #tpu.memory_space<hbm>>
        %dma_wait3A_149 = arith.constant 0 : i32
        %dma_wait3A_150 = arith.constant 0 : i32
        %dma_wait3A_151 = tpu.memref_slice %arg6[%run_scoped3A_121, %dma_wait3A_149, %dma_wait3A_150] : memref<4x128x128xf32, #tpu.memory_space<vmem>> -> memref<1x128x64xf32, #tpu.memory_space<vmem>>
        %dma_wait3A_152 = tpu.memref_squeeze %dma_wait3A_151 : memref<1x128x64xf32, #tpu.memory_space<vmem>> -> memref<128x64xf32, #tpu.memory_space<vmem>>
        tpu.wait_dma2 semaphore(%run_scoped3A_128 : memref<!tpu.dma_semaphore, #tpu.memory_space<semaphore_mem>>) src(%dma_wait3A_152 : memref<128x64xf32, #tpu.memory_space<vmem>>) dst(%dma_wait3A_148 : memref<128x64xf32, #tpu.memory_space<hbm>>)
        tpu.yield
      }) : () -> ()
      %add3A_122 = arith.addi %mul3A_2, %mul3A_10 : i32
      %add3A_123 = arith.constant 3 : i32
      %add3A_124 = arith.addi %add3A_122, %add3A_123 : i32
      %mul3A_125 = arith.constant 128 : i32
      %mul3A_126 = arith.muli %add3A_124, %mul3A_125 : i32
      %run_scoped3A_127 = arith.constant 3 : i32
      "tpu.region"() ({
        %run_scoped3A_128 = tpu.sem_alloc : memref<!tpu.dma_semaphore, #tpu.memory_space<semaphore_mem>>
        %dma_start3A_129 = arith.constant 0 : i32
        %dma_start3A_130 = arith.constant 0 : i32
        %dma_start3A_131 = tpu.memref_slice %arg6[%run_scoped3A_127, %dma_start3A_129, %dma_start3A_130] : memref<4x128x128xf32, #tpu.memory_space<vmem>> -> memref<1x128x64xf32, #tpu.memory_space<vmem>>
        %dma_start3A_132 = tpu.memref_squeeze %dma_start3A_131 : memref<1x128x64xf32, #tpu.memory_space<vmem>> -> memref<128x64xf32, #tpu.memory_space<vmem>>
        %dma_start3A_133 = arith.constant 0 : i32
        %dma_start3A_134 = tpu.memref_slice %arg4[%mul3A_126, %dma_start3A_133] : memref<212992x64xf32, #tpu.memory_space<hbm>> -> memref<128x64xf32, #tpu.memory_space<hbm>>
        %dma_start3A_135 = arith.constant 0 : i32
        %dma_start3A_136 = tpu.memref_slice %arg4[%mul3A_126, %dma_start3A_135] : memref<212992x64xf32, #tpu.memory_space<hbm>> -> memref<128x64xf32, #tpu.memory_space<hbm>>
        %dma_start3A_137 = arith.constant 0 : i32
        %dma_start3A_138 = arith.constant 0 : i32
        %dma_start3A_139 = tpu.memref_slice %arg6[%run_scoped3A_127, %dma_start3A_137, %dma_start3A_138] : memref<4x128x128xf32, #tpu.memory_space<vmem>> -> memref<1x128x64xf32, #tpu.memory_space<vmem>>
        %dma_start3A_140 = tpu.memref_squeeze %dma_start3A_139 : memref<1x128x64xf32, #tpu.memory_space<vmem>> -> memref<128x64xf32, #tpu.memory_space<vmem>>
        tpu.enqueue_dma source(%dma_start3A_140 : memref<128x64xf32, #tpu.memory_space<vmem>>) target(%dma_start3A_136 : memref<128x64xf32, #tpu.memory_space<hbm>>) target_semaphore(%run_scoped3A_128 : memref<!tpu.dma_semaphore, #tpu.memory_space<semaphore_mem>>)
        %dma_wait3A_141 = arith.constant 0 : i32
        %dma_wait3A_142 = arith.constant 0 : i32
        %dma_wait3A_143 = tpu.memref_slice %arg6[%run_scoped3A_127, %dma_wait3A_141, %dma_wait3A_142] : memref<4x128x128xf32, #tpu.memory_space<vmem>> -> memref<1x128x64xf32, #tpu.memory_space<vmem>>
        %dma_wait3A_144 = tpu.memref_squeeze %dma_wait3A_143 : memref<1x128x64xf32, #tpu.memory_space<vmem>> -> memref<128x64xf32, #tpu.memory_space<vmem>>
        %dma_wait3A_145 = arith.constant 0 : i32
        %dma_wait3A_146 = tpu.memref_slice %arg4[%mul3A_126, %dma_wait3A_145] : memref<212992x64xf32, #tpu.memory_space<hbm>> -> memref<128x64xf32, #tpu.memory_space<hbm>>
        %dma_wait3A_147 = arith.constant 0 : i32
        %dma_wait3A_148 = tpu.memref_slice %arg4[%mul3A_126, %dma_wait3A_147] : memref<212992x64xf32, #tpu.memory_space<hbm>> -> memref<128x64xf32, #tpu.memory_space<hbm>>
        %dma_wait3A_149 = arith.constant 0 : i32
        %dma_wait3A_150 = arith.constant 0 : i32
        %dma_wait3A_151 = tpu.memref_slice %arg6[%run_scoped3A_127, %dma_wait3A_149, %dma_wait3A_150] : memref<4x128x128xf32, #tpu.memory_space<vmem>> -> memref<1x128x64xf32, #tpu.memory_space<vmem>>
        %dma_wait3A_152 = tpu.memref_squeeze %dma_wait3A_151 : memref<1x128x64xf32, #tpu.memory_space<vmem>> -> memref<128x64xf32, #tpu.memory_space<vmem>>
        tpu.wait_dma2 semaphore(%run_scoped3A_128 : memref<!tpu.dma_semaphore, #tpu.memory_space<semaphore_mem>>) src(%dma_wait3A_152 : memref<128x64xf32, #tpu.memory_space<vmem>>) dst(%dma_wait3A_148 : memref<128x64xf32, #tpu.memory_space<hbm>>)
        tpu.yield
      }) : () -> ()
    }
    %scan3A_7 = arith.constant 13 : i32
    return
  }
}

#map = affine_map<(d0, d1) -> (0, 0)>
module attributes {stable_mosaic.version = 14 : i64} {
  func.func @_sc_gather(%arg0: i32, %arg1: i32, %arg2: memref<1300000x128xf32, #tpu.memory_space<hbm>>, %arg3: memref<1664x128xi32, #tpu.memory_space<hbm>>, %arg4: memref<212992x64xf32, #tpu.memory_space<hbm>>, %arg5: memref<52x128xi32, #tpu.memory_space<vmem>>, %arg6: memref<4x128x128xf32, #tpu.memory_space<vmem>>, %arg7: memref<!tpu.dma_semaphore, #tpu.memory_space<semaphore_mem>>) attributes {dimension_semantics = [#tpu.dimension_semantics<core_parallel>, #tpu.dimension_semantics<subcore_parallel>], iteration_bounds = array<i64: 2, 16>, scalar_prefetch = 0 : i64, scratch_operands = 3 : i64, tpu.core_type = #tpu.core_type<sc_vector_subcore>, window_params = [{transform_indices = #map}, {transform_indices = #map}, {transform_indices = #map}]} {
    %mul3A = arith.constant 2 : i32
    %mul3A_0 = arith.muli %arg1, %mul3A : i32
    %add3A = arith.addi %mul3A_0, %arg0 : i32
    %mul3A_1 = arith.constant 52 : i32
    %mul3A_2 = arith.muli %add3A, %mul3A_1 : i32
    "tpu.region"() ({
      %run_scoped3A = tpu.sem_alloc : memref<!tpu.dma_semaphore, #tpu.memory_space<semaphore_mem>>
      %dma_start3A = arith.constant 0 : i32
      %dma_start3A_8 = tpu.memref_slice %arg3[%mul3A_2, %dma_start3A] : memref<1664x128xi32, #tpu.memory_space<hbm>> -> memref<52x128xi32, #tpu.memory_space<hbm>>
      %dma_start3A_9 = arith.constant 0 : i32
      %dma_start3A_10 = tpu.memref_slice %arg3[%mul3A_2, %dma_start3A_9] : memref<1664x128xi32, #tpu.memory_space<hbm>> -> memref<52x128xi32, #tpu.memory_space<hbm>>
      tpu.enqueue_dma source(%dma_start3A_10 : memref<52x128xi32, #tpu.memory_space<hbm>>) target(%arg5 : memref<52x128xi32, #tpu.memory_space<vmem>>) target_semaphore(%run_scoped3A : memref<!tpu.dma_semaphore, #tpu.memory_space<semaphore_mem>>)
      %dma_wait3A = arith.constant 0 : i32
      %dma_wait3A_11 = tpu.memref_slice %arg3[%mul3A_2, %dma_wait3A] : memref<1664x128xi32, #tpu.memory_space<hbm>> -> memref<52x128xi32, #tpu.memory_space<hbm>>
      %dma_wait3A_12 = arith.constant 0 : i32
      %dma_wait3A_13 = tpu.memref_slice %arg3[%mul3A_2, %dma_wait3A_12] : memref<1664x128xi32, #tpu.memory_space<hbm>> -> memref<52x128xi32, #tpu.memory_space<hbm>>
      tpu.wait_dma2 semaphore(%run_scoped3A : memref<!tpu.dma_semaphore, #tpu.memory_space<semaphore_mem>>) src(%dma_wait3A_13 : memref<52x128xi32, #tpu.memory_space<hbm>>) dst(%arg5 : memref<52x128xi32, #tpu.memory_space<vmem>>)
      tpu.yield
    }) : () -> ()
    %scan3A = arith.constant 0 : i32
    %scan3A_3 = arith.constant 0 : i32
    %scan3A_4 = arith.constant 13 : i32
    %scan3A_5 = arith.addi %scan3A_3, %scan3A_4 : i32
    %scan3A_6 = arith.constant 1 : i32
    scf.for %scan3A_8 = %scan3A_3 to %scan3A_5 step %scan3A_6  : i32 {
      %mul3A_9 = arith.constant 4 : i32
      %mul3A_10 = arith.muli %scan3A_8, %mul3A_9 : i32
      %add3A_11 = arith.constant 0 : i32
      %add3A_12 = arith.addi %mul3A_10, %add3A_11 : i32
      %dma_start3A = arith.constant 0 : i32
      %dma_start3A_13 = arith.constant 0 : i32
      %dma_start3A_14 = arith.constant 0 : i32
      %dma_start3A_15 = tpu.memref_slice %arg6[%dma_start3A, %dma_start3A_13, %dma_start3A_14] : memref<4x128x128xf32, #tpu.memory_space<vmem>> -> memref<1x128x128xf32, #tpu.memory_space<vmem>>
      %dma_start3A_16 = tpu.memref_squeeze %dma_start3A_15 : memref<1x128x128xf32, #tpu.memory_space<vmem>> -> memref<128x128xf32, #tpu.memory_space<vmem>>
      %dma_start3A_17 = arith.constant 0 : i32
      %dma_start3A_18 = tpu.memref_slice %arg5[%add3A_12, %dma_start3A_17] : memref<52x128xi32, #tpu.memory_space<vmem>> -> memref<1x128xi32, #tpu.memory_space<vmem>>
      %dma_start3A_19 = tpu.memref_squeeze %dma_start3A_18 : memref<1x128xi32, #tpu.memory_space<vmem>> -> memref<128xi32, #tpu.memory_space<vmem>>
      %dma_start3A_20 = arith.constant 0 : i32
      %dma_start3A_21 = arith.constant 0 : i32
      %dma_start3A_22 = tpu.memref_slice %arg2[%dma_start3A_20, %dma_start3A_21] : memref<1300000x128xf32, #tpu.memory_space<hbm>> -> memref<1300000x128xf32, #tpu.memory_space<hbm>>
      tpu.enqueue_indirect_dma source(%dma_start3A_22 : memref<1300000x128xf32, #tpu.memory_space<hbm>>) target(%dma_start3A_16 : memref<128x128xf32, #tpu.memory_space<vmem>>) offsets(%dma_start3A_19 : memref<128xi32, #tpu.memory_space<vmem>>) semaphore(%arg7 : memref<!tpu.dma_semaphore, #tpu.memory_space<semaphore_mem>>)
      %add3A_23 = arith.constant 1 : i32
      %add3A_24 = arith.addi %mul3A_10, %add3A_23 : i32
      %dma_start3A_25 = arith.constant 1 : i32
      %dma_start3A_26 = arith.constant 0 : i32
      %dma_start3A_27 = arith.constant 0 : i32
      %dma_start3A_28 = tpu.memref_slice %arg6[%dma_start3A_25, %dma_start3A_26, %dma_start3A_27] : memref<4x128x128xf32, #tpu.memory_space<vmem>> -> memref<1x128x128xf32, #tpu.memory_space<vmem>>
      %dma_start3A_29 = tpu.memref_squeeze %dma_start3A_28 : memref<1x128x128xf32, #tpu.memory_space<vmem>> -> memref<128x128xf32, #tpu.memory_space<vmem>>
      %dma_start3A_30 = arith.constant 0 : i32
      %dma_start3A_31 = tpu.memref_slice %arg5[%add3A_24, %dma_start3A_30] : memref<52x128xi32, #tpu.memory_space<vmem>> -> memref<1x128xi32, #tpu.memory_space<vmem>>
      %dma_start3A_32 = tpu.memref_squeeze %dma_start3A_31 : memref<1x128xi32, #tpu.memory_space<vmem>> -> memref<128xi32, #tpu.memory_space<vmem>>
      %dma_start3A_33 = arith.constant 0 : i32
      %dma_start3A_34 = arith.constant 0 : i32
      %dma_start3A_35 = tpu.memref_slice %arg2[%dma_start3A_33, %dma_start3A_34] : memref<1300000x128xf32, #tpu.memory_space<hbm>> -> memref<1300000x128xf32, #tpu.memory_space<hbm>>
      tpu.enqueue_indirect_dma source(%dma_start3A_35 : memref<1300000x128xf32, #tpu.memory_space<hbm>>) target(%dma_start3A_29 : memref<128x128xf32, #tpu.memory_space<vmem>>) offsets(%dma_start3A_32 : memref<128xi32, #tpu.memory_space<vmem>>) semaphore(%arg7 : memref<!tpu.dma_semaphore, #tpu.memory_space<semaphore_mem>>)
      %add3A_36 = arith.constant 2 : i32
      %add3A_37 = arith.addi %mul3A_10, %add3A_36 : i32
      %dma_start3A_38 = arith.constant 2 : i32
      %dma_start3A_39 = arith.constant 0 : i32
      %dma_start3A_40 = arith.constant 0 : i32
      %dma_start3A_41 = tpu.memref_slice %arg6[%dma_start3A_38, %dma_start3A_39, %dma_start3A_40] : memref<4x128x128xf32, #tpu.memory_space<vmem>> -> memref<1x128x128xf32, #tpu.memory_space<vmem>>
      %dma_start3A_42 = tpu.memref_squeeze %dma_start3A_41 : memref<1x128x128xf32, #tpu.memory_space<vmem>> -> memref<128x128xf32, #tpu.memory_space<vmem>>
      %dma_start3A_43 = arith.constant 0 : i32
      %dma_start3A_44 = tpu.memref_slice %arg5[%add3A_37, %dma_start3A_43] : memref<52x128xi32, #tpu.memory_space<vmem>> -> memref<1x128xi32, #tpu.memory_space<vmem>>
      %dma_start3A_45 = tpu.memref_squeeze %dma_start3A_44 : memref<1x128xi32, #tpu.memory_space<vmem>> -> memref<128xi32, #tpu.memory_space<vmem>>
      %dma_start3A_46 = arith.constant 0 : i32
      %dma_start3A_47 = arith.constant 0 : i32
      %dma_start3A_48 = tpu.memref_slice %arg2[%dma_start3A_46, %dma_start3A_47] : memref<1300000x128xf32, #tpu.memory_space<hbm>> -> memref<1300000x128xf32, #tpu.memory_space<hbm>>
      tpu.enqueue_indirect_dma source(%dma_start3A_48 : memref<1300000x128xf32, #tpu.memory_space<hbm>>) target(%dma_start3A_42 : memref<128x128xf32, #tpu.memory_space<vmem>>) offsets(%dma_start3A_45 : memref<128xi32, #tpu.memory_space<vmem>>) semaphore(%arg7 : memref<!tpu.dma_semaphore, #tpu.memory_space<semaphore_mem>>)
      %add3A_49 = arith.constant 3 : i32
      %add3A_50 = arith.addi %mul3A_10, %add3A_49 : i32
      %dma_start3A_51 = arith.constant 3 : i32
      %dma_start3A_52 = arith.constant 0 : i32
      %dma_start3A_53 = arith.constant 0 : i32
      %dma_start3A_54 = tpu.memref_slice %arg6[%dma_start3A_51, %dma_start3A_52, %dma_start3A_53] : memref<4x128x128xf32, #tpu.memory_space<vmem>> -> memref<1x128x128xf32, #tpu.memory_space<vmem>>
      %dma_start3A_55 = tpu.memref_squeeze %dma_start3A_54 : memref<1x128x128xf32, #tpu.memory_space<vmem>> -> memref<128x128xf32, #tpu.memory_space<vmem>>
      %dma_start3A_56 = arith.constant 0 : i32
      %dma_start3A_57 = tpu.memref_slice %arg5[%add3A_50, %dma_start3A_56] : memref<52x128xi32, #tpu.memory_space<vmem>> -> memref<1x128xi32, #tpu.memory_space<vmem>>
      %dma_start3A_58 = tpu.memref_squeeze %dma_start3A_57 : memref<1x128xi32, #tpu.memory_space<vmem>> -> memref<128xi32, #tpu.memory_space<vmem>>
      %dma_start3A_59 = arith.constant 0 : i32
      %dma_start3A_60 = arith.constant 0 : i32
      %dma_start3A_61 = tpu.memref_slice %arg2[%dma_start3A_59, %dma_start3A_60] : memref<1300000x128xf32, #tpu.memory_space<hbm>> -> memref<1300000x128xf32, #tpu.memory_space<hbm>>
      tpu.enqueue_indirect_dma source(%dma_start3A_61 : memref<1300000x128xf32, #tpu.memory_space<hbm>>) target(%dma_start3A_55 : memref<128x128xf32, #tpu.memory_space<vmem>>) offsets(%dma_start3A_58 : memref<128xi32, #tpu.memory_space<vmem>>) semaphore(%arg7 : memref<!tpu.dma_semaphore, #tpu.memory_space<semaphore_mem>>)
      %dma_wait3A = arith.constant 0 : i32
      %dma_wait3A_62 = arith.constant 0 : i32
      %dma_wait3A_63 = arith.constant 0 : i32
      %dma_wait3A_64 = tpu.memref_slice %arg6[%dma_wait3A, %dma_wait3A_62, %dma_wait3A_63] : memref<4x128x128xf32, #tpu.memory_space<vmem>> -> memref<1x128x128xf32, #tpu.memory_space<vmem>>
      %dma_wait3A_65 = tpu.memref_squeeze %dma_wait3A_64 : memref<1x128x128xf32, #tpu.memory_space<vmem>> -> memref<128x128xf32, #tpu.memory_space<vmem>>
      %dma_wait3A_66 = arith.constant 0 : i32
      %dma_wait3A_67 = tpu.memref_slice %arg5[%add3A_12, %dma_wait3A_66] : memref<52x128xi32, #tpu.memory_space<vmem>> -> memref<1x128xi32, #tpu.memory_space<vmem>>
      %dma_wait3A_68 = tpu.memref_squeeze %dma_wait3A_67 : memref<1x128xi32, #tpu.memory_space<vmem>> -> memref<128xi32, #tpu.memory_space<vmem>>
      %dma_wait3A_69 = arith.constant 0 : i32
      %dma_wait3A_70 = arith.constant 0 : i32
      %dma_wait3A_71 = tpu.memref_slice %arg2[%dma_wait3A_69, %dma_wait3A_70] : memref<1300000x128xf32, #tpu.memory_space<hbm>> -> memref<1300000x128xf32, #tpu.memory_space<hbm>>
      tpu.wait_indirect_dma semaphore(%arg7 : memref<!tpu.dma_semaphore, #tpu.memory_space<semaphore_mem>>) src(%dma_wait3A_71 : memref<1300000x128xf32, #tpu.memory_space<hbm>>) dst(%dma_wait3A_65 : memref<128x128xf32, #tpu.memory_space<vmem>>)
      %dma_wait3A_72 = arith.constant 1 : i32
      %dma_wait3A_73 = arith.constant 0 : i32
      %dma_wait3A_74 = arith.constant 0 : i32
      %dma_wait3A_75 = tpu.memref_slice %arg6[%dma_wait3A_72, %dma_wait3A_73, %dma_wait3A_74] : memref<4x128x128xf32, #tpu.memory_space<vmem>> -> memref<1x128x128xf32, #tpu.memory_space<vmem>>
      %dma_wait3A_76 = tpu.memref_squeeze %dma_wait3A_75 : memref<1x128x128xf32, #tpu.memory_space<vmem>> -> memref<128x128xf32, #tpu.memory_space<vmem>>
      %dma_wait3A_77 = arith.constant 0 : i32
      %dma_wait3A_78 = tpu.memref_slice %arg5[%add3A_24, %dma_wait3A_77] : memref<52x128xi32, #tpu.memory_space<vmem>> -> memref<1x128xi32, #tpu.memory_space<vmem>>
      %dma_wait3A_79 = tpu.memref_squeeze %dma_wait3A_78 : memref<1x128xi32, #tpu.memory_space<vmem>> -> memref<128xi32, #tpu.memory_space<vmem>>
      %dma_wait3A_80 = arith.constant 0 : i32
      %dma_wait3A_81 = arith.constant 0 : i32
      %dma_wait3A_82 = tpu.memref_slice %arg2[%dma_wait3A_80, %dma_wait3A_81] : memref<1300000x128xf32, #tpu.memory_space<hbm>> -> memref<1300000x128xf32, #tpu.memory_space<hbm>>
      tpu.wait_indirect_dma semaphore(%arg7 : memref<!tpu.dma_semaphore, #tpu.memory_space<semaphore_mem>>) src(%dma_wait3A_82 : memref<1300000x128xf32, #tpu.memory_space<hbm>>) dst(%dma_wait3A_76 : memref<128x128xf32, #tpu.memory_space<vmem>>)
      %dma_wait3A_83 = arith.constant 2 : i32
      %dma_wait3A_84 = arith.constant 0 : i32
      %dma_wait3A_85 = arith.constant 0 : i32
      %dma_wait3A_86 = tpu.memref_slice %arg6[%dma_wait3A_83, %dma_wait3A_84, %dma_wait3A_85] : memref<4x128x128xf32, #tpu.memory_space<vmem>> -> memref<1x128x128xf32, #tpu.memory_space<vmem>>
      %dma_wait3A_87 = tpu.memref_squeeze %dma_wait3A_86 : memref<1x128x128xf32, #tpu.memory_space<vmem>> -> memref<128x128xf32, #tpu.memory_space<vmem>>
      %dma_wait3A_88 = arith.constant 0 : i32
      %dma_wait3A_89 = tpu.memref_slice %arg5[%add3A_37, %dma_wait3A_88] : memref<52x128xi32, #tpu.memory_space<vmem>> -> memref<1x128xi32, #tpu.memory_space<vmem>>
      %dma_wait3A_90 = tpu.memref_squeeze %dma_wait3A_89 : memref<1x128xi32, #tpu.memory_space<vmem>> -> memref<128xi32, #tpu.memory_space<vmem>>
      %dma_wait3A_91 = arith.constant 0 : i32
      %dma_wait3A_92 = arith.constant 0 : i32
      %dma_wait3A_93 = tpu.memref_slice %arg2[%dma_wait3A_91, %dma_wait3A_92] : memref<1300000x128xf32, #tpu.memory_space<hbm>> -> memref<1300000x128xf32, #tpu.memory_space<hbm>>
      tpu.wait_indirect_dma semaphore(%arg7 : memref<!tpu.dma_semaphore, #tpu.memory_space<semaphore_mem>>) src(%dma_wait3A_93 : memref<1300000x128xf32, #tpu.memory_space<hbm>>) dst(%dma_wait3A_87 : memref<128x128xf32, #tpu.memory_space<vmem>>)
      %dma_wait3A_94 = arith.constant 3 : i32
      %dma_wait3A_95 = arith.constant 0 : i32
      %dma_wait3A_96 = arith.constant 0 : i32
      %dma_wait3A_97 = tpu.memref_slice %arg6[%dma_wait3A_94, %dma_wait3A_95, %dma_wait3A_96] : memref<4x128x128xf32, #tpu.memory_space<vmem>> -> memref<1x128x128xf32, #tpu.memory_space<vmem>>
      %dma_wait3A_98 = tpu.memref_squeeze %dma_wait3A_97 : memref<1x128x128xf32, #tpu.memory_space<vmem>> -> memref<128x128xf32, #tpu.memory_space<vmem>>
      %dma_wait3A_99 = arith.constant 0 : i32
      %dma_wait3A_100 = tpu.memref_slice %arg5[%add3A_50, %dma_wait3A_99] : memref<52x128xi32, #tpu.memory_space<vmem>> -> memref<1x128xi32, #tpu.memory_space<vmem>>
      %dma_wait3A_101 = tpu.memref_squeeze %dma_wait3A_100 : memref<1x128xi32, #tpu.memory_space<vmem>> -> memref<128xi32, #tpu.memory_space<vmem>>
      %dma_wait3A_102 = arith.constant 0 : i32
      %dma_wait3A_103 = arith.constant 0 : i32
      %dma_wait3A_104 = tpu.memref_slice %arg2[%dma_wait3A_102, %dma_wait3A_103] : memref<1300000x128xf32, #tpu.memory_space<hbm>> -> memref<1300000x128xf32, #tpu.memory_space<hbm>>
      tpu.wait_indirect_dma semaphore(%arg7 : memref<!tpu.dma_semaphore, #tpu.memory_space<semaphore_mem>>) src(%dma_wait3A_104 : memref<1300000x128xf32, #tpu.memory_space<hbm>>) dst(%dma_wait3A_98 : memref<128x128xf32, #tpu.memory_space<vmem>>)
      %add3A_105 = arith.addi %mul3A_2, %mul3A_10 : i32
      %add3A_106 = arith.constant 0 : i32
      %add3A_107 = arith.addi %add3A_105, %add3A_106 : i32
      %mul3A_108 = arith.constant 128 : i32
      %mul3A_109 = arith.muli %add3A_107, %mul3A_108 : i32
      %run_scoped3A = arith.constant 0 : i32
      "tpu.region"() ({
        %run_scoped3A_128 = tpu.sem_alloc : memref<!tpu.dma_semaphore, #tpu.memory_space<semaphore_mem>>
        %dma_start3A_129 = arith.constant 0 : i32
        %dma_start3A_130 = arith.constant 0 : i32
        %dma_start3A_131 = tpu.memref_slice %arg6[%run_scoped3A, %dma_start3A_129, %dma_start3A_130] : memref<4x128x128xf32, #tpu.memory_space<vmem>> -> memref<1x128x64xf32, #tpu.memory_space<vmem>>
        %dma_start3A_132 = tpu.memref_squeeze %dma_start3A_131 : memref<1x128x64xf32, #tpu.memory_space<vmem>> -> memref<128x64xf32, #tpu.memory_space<vmem>>
        %dma_start3A_133 = arith.constant 0 : i32
        %dma_start3A_134 = tpu.memref_slice %arg4[%mul3A_109, %dma_start3A_133] : memref<212992x64xf32, #tpu.memory_space<hbm>> -> memref<128x64xf32, #tpu.memory_space<hbm>>
        %dma_start3A_135 = arith.constant 0 : i32
        %dma_start3A_136 = tpu.memref_slice %arg4[%mul3A_109, %dma_start3A_135] : memref<212992x64xf32, #tpu.memory_space<hbm>> -> memref<128x64xf32, #tpu.memory_space<hbm>>
        %dma_start3A_137 = arith.constant 0 : i32
        %dma_start3A_138 = arith.constant 0 : i32
        %dma_start3A_139 = tpu.memref_slice %arg6[%run_scoped3A, %dma_start3A_137, %dma_start3A_138] : memref<4x128x128xf32, #tpu.memory_space<vmem>> -> memref<1x128x64xf32, #tpu.memory_space<vmem>>
        %dma_start3A_140 = tpu.memref_squeeze %dma_start3A_139 : memref<1x128x64xf32, #tpu.memory_space<vmem>> -> memref<128x64xf32, #tpu.memory_space<vmem>>
        tpu.enqueue_dma source(%dma_start3A_140 : memref<128x64xf32, #tpu.memory_space<vmem>>) target(%dma_start3A_136 : memref<128x64xf32, #tpu.memory_space<hbm>>) target_semaphore(%run_scoped3A_128 : memref<!tpu.dma_semaphore, #tpu.memory_space<semaphore_mem>>)
        %dma_wait3A_141 = arith.constant 0 : i32
        %dma_wait3A_142 = arith.constant 0 : i32
        %dma_wait3A_143 = tpu.memref_slice %arg6[%run_scoped3A, %dma_wait3A_141, %dma_wait3A_142] : memref<4x128x128xf32, #tpu.memory_space<vmem>> -> memref<1x128x64xf32, #tpu.memory_space<vmem>>
        %dma_wait3A_144 = tpu.memref_squeeze %dma_wait3A_143 : memref<1x128x64xf32, #tpu.memory_space<vmem>> -> memref<128x64xf32, #tpu.memory_space<vmem>>
        %dma_wait3A_145 = arith.constant 0 : i32
        %dma_wait3A_146 = tpu.memref_slice %arg4[%mul3A_109, %dma_wait3A_145] : memref<212992x64xf32, #tpu.memory_space<hbm>> -> memref<128x64xf32, #tpu.memory_space<hbm>>
        %dma_wait3A_147 = arith.constant 0 : i32
        %dma_wait3A_148 = tpu.memref_slice %arg4[%mul3A_109, %dma_wait3A_147] : memref<212992x64xf32, #tpu.memory_space<hbm>> -> memref<128x64xf32, #tpu.memory_space<hbm>>
        %dma_wait3A_149 = arith.constant 0 : i32
        %dma_wait3A_150 = arith.constant 0 : i32
        %dma_wait3A_151 = tpu.memref_slice %arg6[%run_scoped3A, %dma_wait3A_149, %dma_wait3A_150] : memref<4x128x128xf32, #tpu.memory_space<vmem>> -> memref<1x128x64xf32, #tpu.memory_space<vmem>>
        %dma_wait3A_152 = tpu.memref_squeeze %dma_wait3A_151 : memref<1x128x64xf32, #tpu.memory_space<vmem>> -> memref<128x64xf32, #tpu.memory_space<vmem>>
        tpu.wait_dma2 semaphore(%run_scoped3A_128 : memref<!tpu.dma_semaphore, #tpu.memory_space<semaphore_mem>>) src(%dma_wait3A_152 : memref<128x64xf32, #tpu.memory_space<vmem>>) dst(%dma_wait3A_148 : memref<128x64xf32, #tpu.memory_space<hbm>>)
        tpu.yield
      }) : () -> ()
      %add3A_110 = arith.addi %mul3A_2, %mul3A_10 : i32
      %add3A_111 = arith.constant 1 : i32
      %add3A_112 = arith.addi %add3A_110, %add3A_111 : i32
      %mul3A_113 = arith.constant 128 : i32
      %mul3A_114 = arith.muli %add3A_112, %mul3A_113 : i32
      %run_scoped3A_115 = arith.constant 1 : i32
      "tpu.region"() ({
        %run_scoped3A_128 = tpu.sem_alloc : memref<!tpu.dma_semaphore, #tpu.memory_space<semaphore_mem>>
        %dma_start3A_129 = arith.constant 0 : i32
        %dma_start3A_130 = arith.constant 0 : i32
        %dma_start3A_131 = tpu.memref_slice %arg6[%run_scoped3A_115, %dma_start3A_129, %dma_start3A_130] : memref<4x128x128xf32, #tpu.memory_space<vmem>> -> memref<1x128x64xf32, #tpu.memory_space<vmem>>
        %dma_start3A_132 = tpu.memref_squeeze %dma_start3A_131 : memref<1x128x64xf32, #tpu.memory_space<vmem>> -> memref<128x64xf32, #tpu.memory_space<vmem>>
        %dma_start3A_133 = arith.constant 0 : i32
        %dma_start3A_134 = tpu.memref_slice %arg4[%mul3A_114, %dma_start3A_133] : memref<212992x64xf32, #tpu.memory_space<hbm>> -> memref<128x64xf32, #tpu.memory_space<hbm>>
        %dma_start3A_135 = arith.constant 0 : i32
        %dma_start3A_136 = tpu.memref_slice %arg4[%mul3A_114, %dma_start3A_135] : memref<212992x64xf32, #tpu.memory_space<hbm>> -> memref<128x64xf32, #tpu.memory_space<hbm>>
        %dma_start3A_137 = arith.constant 0 : i32
        %dma_start3A_138 = arith.constant 0 : i32
        %dma_start3A_139 = tpu.memref_slice %arg6[%run_scoped3A_115, %dma_start3A_137, %dma_start3A_138] : memref<4x128x128xf32, #tpu.memory_space<vmem>> -> memref<1x128x64xf32, #tpu.memory_space<vmem>>
        %dma_start3A_140 = tpu.memref_squeeze %dma_start3A_139 : memref<1x128x64xf32, #tpu.memory_space<vmem>> -> memref<128x64xf32, #tpu.memory_space<vmem>>
        tpu.enqueue_dma source(%dma_start3A_140 : memref<128x64xf32, #tpu.memory_space<vmem>>) target(%dma_start3A_136 : memref<128x64xf32, #tpu.memory_space<hbm>>) target_semaphore(%run_scoped3A_128 : memref<!tpu.dma_semaphore, #tpu.memory_space<semaphore_mem>>)
        %dma_wait3A_141 = arith.constant 0 : i32
        %dma_wait3A_142 = arith.constant 0 : i32
        %dma_wait3A_143 = tpu.memref_slice %arg6[%run_scoped3A_115, %dma_wait3A_141, %dma_wait3A_142] : memref<4x128x128xf32, #tpu.memory_space<vmem>> -> memref<1x128x64xf32, #tpu.memory_space<vmem>>
        %dma_wait3A_144 = tpu.memref_squeeze %dma_wait3A_143 : memref<1x128x64xf32, #tpu.memory_space<vmem>> -> memref<128x64xf32, #tpu.memory_space<vmem>>
        %dma_wait3A_145 = arith.constant 0 : i32
        %dma_wait3A_146 = tpu.memref_slice %arg4[%mul3A_114, %dma_wait3A_145] : memref<212992x64xf32, #tpu.memory_space<hbm>> -> memref<128x64xf32, #tpu.memory_space<hbm>>
        %dma_wait3A_147 = arith.constant 0 : i32
        %dma_wait3A_148 = tpu.memref_slice %arg4[%mul3A_114, %dma_wait3A_147] : memref<212992x64xf32, #tpu.memory_space<hbm>> -> memref<128x64xf32, #tpu.memory_space<hbm>>
        %dma_wait3A_149 = arith.constant 0 : i32
        %dma_wait3A_150 = arith.constant 0 : i32
        %dma_wait3A_151 = tpu.memref_slice %arg6[%run_scoped3A_115, %dma_wait3A_149, %dma_wait3A_150] : memref<4x128x128xf32, #tpu.memory_space<vmem>> -> memref<1x128x64xf32, #tpu.memory_space<vmem>>
        %dma_wait3A_152 = tpu.memref_squeeze %dma_wait3A_151 : memref<1x128x64xf32, #tpu.memory_space<vmem>> -> memref<128x64xf32, #tpu.memory_space<vmem>>
        tpu.wait_dma2 semaphore(%run_scoped3A_128 : memref<!tpu.dma_semaphore, #tpu.memory_space<semaphore_mem>>) src(%dma_wait3A_152 : memref<128x64xf32, #tpu.memory_space<vmem>>) dst(%dma_wait3A_148 : memref<128x64xf32, #tpu.memory_space<hbm>>)
        tpu.yield
      }) : () -> ()
      %add3A_116 = arith.addi %mul3A_2, %mul3A_10 : i32
      %add3A_117 = arith.constant 2 : i32
      %add3A_118 = arith.addi %add3A_116, %add3A_117 : i32
      %mul3A_119 = arith.constant 128 : i32
      %mul3A_120 = arith.muli %add3A_118, %mul3A_119 : i32
      %run_scoped3A_121 = arith.constant 2 : i32
      "tpu.region"() ({
        %run_scoped3A_128 = tpu.sem_alloc : memref<!tpu.dma_semaphore, #tpu.memory_space<semaphore_mem>>
        %dma_start3A_129 = arith.constant 0 : i32
        %dma_start3A_130 = arith.constant 0 : i32
        %dma_start3A_131 = tpu.memref_slice %arg6[%run_scoped3A_121, %dma_start3A_129, %dma_start3A_130] : memref<4x128x128xf32, #tpu.memory_space<vmem>> -> memref<1x128x64xf32, #tpu.memory_space<vmem>>
        %dma_start3A_132 = tpu.memref_squeeze %dma_start3A_131 : memref<1x128x64xf32, #tpu.memory_space<vmem>> -> memref<128x64xf32, #tpu.memory_space<vmem>>
        %dma_start3A_133 = arith.constant 0 : i32
        %dma_start3A_134 = tpu.memref_slice %arg4[%mul3A_120, %dma_start3A_133] : memref<212992x64xf32, #tpu.memory_space<hbm>> -> memref<128x64xf32, #tpu.memory_space<hbm>>
        %dma_start3A_135 = arith.constant 0 : i32
        %dma_start3A_136 = tpu.memref_slice %arg4[%mul3A_120, %dma_start3A_135] : memref<212992x64xf32, #tpu.memory_space<hbm>> -> memref<128x64xf32, #tpu.memory_space<hbm>>
        %dma_start3A_137 = arith.constant 0 : i32
        %dma_start3A_138 = arith.constant 0 : i32
        %dma_start3A_139 = tpu.memref_slice %arg6[%run_scoped3A_121, %dma_start3A_137, %dma_start3A_138] : memref<4x128x128xf32, #tpu.memory_space<vmem>> -> memref<1x128x64xf32, #tpu.memory_space<vmem>>
        %dma_start3A_140 = tpu.memref_squeeze %dma_start3A_139 : memref<1x128x64xf32, #tpu.memory_space<vmem>> -> memref<128x64xf32, #tpu.memory_space<vmem>>
        tpu.enqueue_dma source(%dma_start3A_140 : memref<128x64xf32, #tpu.memory_space<vmem>>) target(%dma_start3A_136 : memref<128x64xf32, #tpu.memory_space<hbm>>) target_semaphore(%run_scoped3A_128 : memref<!tpu.dma_semaphore, #tpu.memory_space<semaphore_mem>>)
        %dma_wait3A_141 = arith.constant 0 : i32
        %dma_wait3A_142 = arith.constant 0 : i32
        %dma_wait3A_143 = tpu.memref_slice %arg6[%run_scoped3A_121, %dma_wait3A_141, %dma_wait3A_142] : memref<4x128x128xf32, #tpu.memory_space<vmem>> -> memref<1x128x64xf32, #tpu.memory_space<vmem>>
        %dma_wait3A_144 = tpu.memref_squeeze %dma_wait3A_143 : memref<1x128x64xf32, #tpu.memory_space<vmem>> -> memref<128x64xf32, #tpu.memory_space<vmem>>
        %dma_wait3A_145 = arith.constant 0 : i32
        %dma_wait3A_146 = tpu.memref_slice %arg4[%mul3A_120, %dma_wait3A_145] : memref<212992x64xf32, #tpu.memory_space<hbm>> -> memref<128x64xf32, #tpu.memory_space<hbm>>
        %dma_wait3A_147 = arith.constant 0 : i32
        %dma_wait3A_148 = tpu.memref_slice %arg4[%mul3A_120, %dma_wait3A_147] : memref<212992x64xf32, #tpu.memory_space<hbm>> -> memref<128x64xf32, #tpu.memory_space<hbm>>
        %dma_wait3A_149 = arith.constant 0 : i32
        %dma_wait3A_150 = arith.constant 0 : i32
        %dma_wait3A_151 = tpu.memref_slice %arg6[%run_scoped3A_121, %dma_wait3A_149, %dma_wait3A_150] : memref<4x128x128xf32, #tpu.memory_space<vmem>> -> memref<1x128x64xf32, #tpu.memory_space<vmem>>
        %dma_wait3A_152 = tpu.memref_squeeze %dma_wait3A_151 : memref<1x128x64xf32, #tpu.memory_space<vmem>> -> memref<128x64xf32, #tpu.memory_space<vmem>>
        tpu.wait_dma2 semaphore(%run_scoped3A_128 : memref<!tpu.dma_semaphore, #tpu.memory_space<semaphore_mem>>) src(%dma_wait3A_152 : memref<128x64xf32, #tpu.memory_space<vmem>>) dst(%dma_wait3A_148 : memref<128x64xf32, #tpu.memory_space<hbm>>)
        tpu.yield
      }) : () -> ()
      %add3A_122 = arith.addi %mul3A_2, %mul3A_10 : i32
      %add3A_123 = arith.constant 3 : i32
      %add3A_124 = arith.addi %add3A_122, %add3A_123 : i32
      %mul3A_125 = arith.constant 128 : i32
      %mul3A_126 = arith.muli %add3A_124, %mul3A_125 : i32
      %run_scoped3A_127 = arith.constant 3 : i32
      "tpu.region"() ({
        %run_scoped3A_128 = tpu.sem_alloc : memref<!tpu.dma_semaphore, #tpu.memory_space<semaphore_mem>>
        %dma_start3A_129 = arith.constant 0 : i32
        %dma_start3A_130 = arith.constant 0 : i32
        %dma_start3A_131 = tpu.memref_slice %arg6[%run_scoped3A_127, %dma_start3A_129, %dma_start3A_130] : memref<4x128x128xf32, #tpu.memory_space<vmem>> -> memref<1x128x64xf32, #tpu.memory_space<vmem>>
        %dma_start3A_132 = tpu.memref_squeeze %dma_start3A_131 : memref<1x128x64xf32, #tpu.memory_space<vmem>> -> memref<128x64xf32, #tpu.memory_space<vmem>>
        %dma_start3A_133 = arith.constant 0 : i32
        %dma_start3A_134 = tpu.memref_slice %arg4[%mul3A_126, %dma_start3A_133] : memref<212992x64xf32, #tpu.memory_space<hbm>> -> memref<128x64xf32, #tpu.memory_space<hbm>>
        %dma_start3A_135 = arith.constant 0 : i32
        %dma_start3A_136 = tpu.memref_slice %arg4[%mul3A_126, %dma_start3A_135] : memref<212992x64xf32, #tpu.memory_space<hbm>> -> memref<128x64xf32, #tpu.memory_space<hbm>>
        %dma_start3A_137 = arith.constant 0 : i32
        %dma_start3A_138 = arith.constant 0 : i32
        %dma_start3A_139 = tpu.memref_slice %arg6[%run_scoped3A_127, %dma_start3A_137, %dma_start3A_138] : memref<4x128x128xf32, #tpu.memory_space<vmem>> -> memref<1x128x64xf32, #tpu.memory_space<vmem>>
        %dma_start3A_140 = tpu.memref_squeeze %dma_start3A_139 : memref<1x128x64xf32, #tpu.memory_space<vmem>> -> memref<128x64xf32, #tpu.memory_space<vmem>>
        tpu.enqueue_dma source(%dma_start3A_140 : memref<128x64xf32, #tpu.memory_space<vmem>>) target(%dma_start3A_136 : memref<128x64xf32, #tpu.memory_space<hbm>>) target_semaphore(%run_scoped3A_128 : memref<!tpu.dma_semaphore, #tpu.memory_space<semaphore_mem>>)
        %dma_wait3A_141 = arith.constant 0 : i32
        %dma_wait3A_142 = arith.constant 0 : i32
        %dma_wait3A_143 = tpu.memref_slice %arg6[%run_scoped3A_127, %dma_wait3A_141, %dma_wait3A_142] : memref<4x128x128xf32, #tpu.memory_space<vmem>> -> memref<1x128x64xf32, #tpu.memory_space<vmem>>
        %dma_wait3A_144 = tpu.memref_squeeze %dma_wait3A_143 : memref<1x128x64xf32, #tpu.memory_space<vmem>> -> memref<128x64xf32, #tpu.memory_space<vmem>>
        %dma_wait3A_145 = arith.constant 0 : i32
        %dma_wait3A_146 = tpu.memref_slice %arg4[%mul3A_126, %dma_wait3A_145] : memref<212992x64xf32, #tpu.memory_space<hbm>> -> memref<128x64xf32, #tpu.memory_space<hbm>>
        %dma_wait3A_147 = arith.constant 0 : i32
        %dma_wait3A_148 = tpu.memref_slice %arg4[%mul3A_126, %dma_wait3A_147] : memref<212992x64xf32, #tpu.memory_space<hbm>> -> memref<128x64xf32, #tpu.memory_space<hbm>>
        %dma_wait3A_149 = arith.constant 0 : i32
        %dma_wait3A_150 = arith.constant 0 : i32
        %dma_wait3A_151 = tpu.memref_slice %arg6[%run_scoped3A_127, %dma_wait3A_149, %dma_wait3A_150] : memref<4x128x128xf32, #tpu.memory_space<vmem>> -> memref<1x128x64xf32, #tpu.memory_space<vmem>>
        %dma_wait3A_152 = tpu.memref_squeeze %dma_wait3A_151 : memref<1x128x64xf32, #tpu.memory_space<vmem>> -> memref<128x64xf32, #tpu.memory_space<vmem>>
        tpu.wait_dma2 semaphore(%run_scoped3A_128 : memref<!tpu.dma_semaphore, #tpu.memory_space<semaphore_mem>>) src(%dma_wait3A_152 : memref<128x64xf32, #tpu.memory_space<vmem>>) dst(%dma_wait3A_148 : memref<128x64xf32, #tpu.memory_space<hbm>>)
        tpu.yield
      }) : () -> ()
    }
    %scan3A_7 = arith.constant 13 : i32
    return
  }
}

module attributes {stable_mosaic.version = 14 : i64} {
  func.func @_tp_body(%arg0: i32, %arg1: i32, %arg2: memref<64x8192xf32, #tpu.memory_space<vmem>>, %arg3: memref<1x8192x128xf32, #tpu.memory_space<vmem>>) attributes {dimension_semantics = [#tpu.dimension_semantics<arbitrary>, #tpu.dimension_semantics<arbitrary>], iteration_bounds = array<i64: 13, 13>, scalar_prefetch = 0 : i64, scratch_operands = 0 : i64, tpu.core_type = #tpu.core_type<tc>, window_params = [{transform_indices = @transform_0, window_bounds = array<i64: 64, 8192>}, {transform_indices = @transform_1, window_bounds = array<i64: 1, 8192, 128>}]} {
    %get3A = arith.constant 0 : index
    %get3A_0 = arith.constant 0 : index
    %get3A_1 = vector.load %arg2[%get3A, %get3A_0] : memref<64x8192xf32, #tpu.memory_space<vmem>>, vector<64x8192xf32>
    %iota3A = tpu.iota {dimensions = array<i32: 0>} : vector<64x64xi32>
    %iota3A_2 = tpu.iota {dimensions = array<i32: 1>} : vector<64x64xi32>
    %add3A = arith.constant 0 : i32
    %add3A_3 = vector.broadcast %add3A : i32 to vector<64x64xi32>
    %add3A_4 = arith.addi %iota3A, %add3A_3 : vector<64x64xi32>
    %eq3A = arith.cmpi eq, %add3A_4, %iota3A_2 : vector<64x64xi32>
    %convert_element_type3A = arith.extui %eq3A : vector<64x64xi1> to vector<64x64xi32>
    %convert_element_type3A_5 = arith.sitofp %convert_element_type3A : vector<64x64xi32> to vector<64x64xf32>
    %concatenate3A = tpu.concatenate %convert_element_type3A_5, %convert_element_type3A_5 in 1 : vector<64x64xf32>, vector<64x64xf32> -> vector<64x128xf32>
    %dot_general3A = arith.constant dense<0.000000e+00> : vector<8192x128xf32>
    %dot_general3A_6 = tpu.matmul %get3A_1, %concatenate3A, %dot_general3A {dimension_numbers = #tpu.dot_dimension_numbers<[0], [0], [1], [1], [0, 1, 1, 1], [], []>, transpose_lhs_hint = false} : vector<64x8192xf32>, vector<64x128xf32>, vector<8192x128xf32> -> vector<8192x128xf32>
    %swap3A = arith.constant 0 : index
    %swap3A_7 = arith.constant 0 : index
    %swap3A_8 = arith.constant 0 : index
    %swap3A_9 = vector.load %arg3[%swap3A, %swap3A_7, %swap3A_8] : memref<1x8192x128xf32, #tpu.memory_space<vmem>>, vector<1x8192x128xf32>
    %swap3A_10 = vector.shape_cast %swap3A_9 : vector<1x8192x128xf32> to vector<8192x128xf32>
    %swap3A_11 = vector.shape_cast %dot_general3A_6 : vector<8192x128xf32> to vector<1x8192x128xf32>
    tpu.vector_store %arg3[%swap3A, %swap3A_7, %swap3A_8], %swap3A_11 {strides = array<i32>} : memref<1x8192x128xf32, #tpu.memory_space<vmem>>, vector<1x8192x128xf32>,
    return
  }
  func.func @transform_0(%arg0: i32, %arg1: i32) -> (i32, i32) {
    %c0_i32 = arith.constant 0 : i32
    return %arg0, %arg1 : i32, i32
  }
  func.func @transform_1(%arg0: i32, %arg1: i32) -> (i32, i32, i32) {
    %c0_i32 = arith.constant 0 : i32
    %c0_i32_0 = arith.constant 0 : i32
    return %arg0, %arg1, %c0_i32 : i32, i32, i32
  }
}

module attributes {stable_mosaic.version = 14 : i64} {
  func.func @_mm_body(%arg0: i32, %arg1: i32, %arg2: memref<1x8192x128xf32, #tpu.memory_space<vmem>>, %arg3: memref<1x128x128xf32, #tpu.memory_space<vmem>>, %arg4: memref<1x128xf32, #tpu.memory_space<vmem>>, %arg5: memref<8192x128xf32, #tpu.memory_space<vmem>>) attributes {dimension_semantics = [#tpu.dimension_semantics<arbitrary>, #tpu.dimension_semantics<arbitrary>], iteration_bounds = array<i64: 1, 13>, scalar_prefetch = 0 : i64, scratch_operands = 0 : i64, tpu.core_type = #tpu.core_type<tc>, window_params = [{transform_indices = @transform_0, window_bounds = array<i64: 1, 8192, 128>}, {transform_indices = @transform_1, window_bounds = array<i64: 1, 128, 128>}, {pipeline_mode = #tpu.pipeline_mode<synchronous>, transform_indices = @transform_2, window_bounds = array<i64: 1, 128>}, {transform_indices = @transform_3, window_bounds = array<i64: 8192, 128>}]} {
    %get3A = arith.constant 0 : index
    %get3A_0 = arith.constant 0 : index
    %get3A_1 = arith.constant 0 : index
    %get3A_2 = vector.load %arg2[%get3A, %get3A_0, %get3A_1] : memref<1x8192x128xf32, #tpu.memory_space<vmem>>, vector<1x8192x128xf32>
    %get3A_3 = vector.shape_cast %get3A_2 : vector<1x8192x128xf32> to vector<8192x128xf32>
    %get3A_4 = arith.constant 0 : index
    %get3A_5 = arith.constant 0 : index
    %get3A_6 = arith.constant 0 : index
    %get3A_7 = vector.load %arg3[%get3A_4, %get3A_5, %get3A_6] : memref<1x128x128xf32, #tpu.memory_space<vmem>>, vector<1x128x128xf32>
    %get3A_8 = vector.shape_cast %get3A_7 : vector<1x128x128xf32> to vector<128x128xf32>
    %dot_general3A = arith.constant dense<0.000000e+00> : vector<8192x128xf32>
    %dot_general3A_9 = tpu.matmul %get3A_3, %get3A_8, %dot_general3A {dimension_numbers = #tpu.dot_dimension_numbers<[1], [0], [0], [1], [0, 0, 1, 1], [], []>, transpose_lhs_hint = false} : vector<8192x128xf32>, vector<128x128xf32>, vector<8192x128xf32> -> vector<8192x128xf32>
    %eq3A = arith.constant 0 : i32
    %eq3A_10 = arith.cmpi eq, %arg1, %eq3A : i32
    %convert_element_type3A = arith.extui %eq3A_10 : i1 to i32
    %cond3A = arith.constant 0 : i32
    %cond3A_11 = arith.cmpi ne, %convert_element_type3A, %cond3A : i32
    scf.if %cond3A_11 {
      %get3A_16 = arith.constant 0 : index
      %get3A_17 = arith.constant 0 : index
      %get3A_18 = vector.load %arg4[%get3A_16, %get3A_17] : memref<1x128xf32, #tpu.memory_space<vmem>>, vector<1x128xf32>
      %add3A = vector.broadcast %get3A_18 : vector<1x128xf32> to vector<8192x128xf32>
      %add3A_19 = arith.addf %dot_general3A_9, %add3A : vector<8192x128xf32>
      %swap3A = arith.constant 0 : index
      %swap3A_20 = arith.constant 0 : index
      %swap3A_21 = vector.load %arg5[%swap3A, %swap3A_20] : memref<8192x128xf32, #tpu.memory_space<vmem>>, vector<8192x128xf32>
      tpu.vector_store %arg5[%swap3A, %swap3A_20], %add3A_19 {strides = array<i32>} : memref<8192x128xf32, #tpu.memory_space<vmem>>, vector<8192x128xf32>,
    } else {
    }
    %ne3A = arith.constant 0 : i32
    %ne3A_12 = arith.cmpi ne, %arg1, %ne3A : i32
    %convert_element_type3A_13 = arith.extui %ne3A_12 : i1 to i32
    %cond3A_14 = arith.constant 0 : i32
    %cond3A_15 = arith.cmpi ne, %convert_element_type3A_13, %cond3A_14 : i32
    scf.if %cond3A_15 {
      %get3A_16 = arith.constant 0 : index
      %get3A_17 = arith.constant 0 : index
      %get3A_18 = vector.load %arg5[%get3A_16, %get3A_17] : memref<8192x128xf32, #tpu.memory_space<vmem>>, vector<8192x128xf32>
      %add3A = arith.addf %get3A_18, %dot_general3A_9 : vector<8192x128xf32>
      %swap3A = arith.constant 0 : index
      %swap3A_19 = arith.constant 0 : index
      %swap3A_20 = vector.load %arg5[%swap3A, %swap3A_19] : memref<8192x128xf32, #tpu.memory_space<vmem>>, vector<8192x128xf32>
      tpu.vector_store %arg5[%swap3A, %swap3A_19], %add3A {strides = array<i32>} : memref<8192x128xf32, #tpu.memory_space<vmem>>, vector<8192x128xf32>,
    } else {
    }
    return
  }
  func.func @transform_0(%arg0: i32, %arg1: i32) -> (i32, i32, i32) {
    %c0_i32 = arith.constant 0 : i32
    %c0_i32_0 = arith.constant 0 : i32
    return %arg1, %arg0, %c0_i32 : i32, i32, i32
  }
  func.func @transform_1(%arg0: i32, %arg1: i32) -> (i32, i32, i32) {
    %c0_i32 = arith.constant 0 : i32
    %c0_i32_0 = arith.constant 0 : i32
    %c0_i32_1 = arith.constant 0 : i32
    return %arg1, %c0_i32, %c0_i32_0 : i32, i32, i32
  }
  func.func @transform_2(%arg0: i32, %arg1: i32) -> (i32, i32) {
    %c0_i32 = arith.constant 0 : i32
    %c0_i32_0 = arith.constant 0 : i32
    %c0_i32_1 = arith.constant 0 : i32
    return %c0_i32, %c0_i32_0 : i32, i32
  }
  func.func @transform_3(%arg0: i32, %arg1: i32) -> (i32, i32) {
    %c0_i32 = arith.constant 0 : i32
    %c0_i32_0 = arith.constant 0 : i32
    return %arg0, %c0_i32 : i32, i32
  }
}

</mosaic_0001>

<sc_bundles>
// kernel: kernel.11.cloned.1.call-start
scs
__scs_entry_jumppad:
0x0: {  	(pc) =	sbr.rel $0x88, $3  }
0x1: {  	(tag) =	ssettag $0x0;
	lr =	simm.s32 $0x1  }
0x2: {  	[smem:$0x3F9D] =	sst lr;
	_ =	strace $0xD0000000  }
0x3: {  	_ = 	snop  }
0x4: {  	_ = 	snop  }
0x5: {  	_ = 	snop  }
0x6: {  	_ = 	snop  }
0x7: {  	_ = 	snop  }
__scs_overlays_trampoline_lowered:
0x8: {  	[smem:$0x3FAC] =	sst s0  }
0x9: {  	[smem:$0x3FAD] =	sst s1  }
0xa: {  	[smem:$0x3FAE] =	sst s2  }
0xb: {  	[smem:$0x3FAF] =	sst s3  }
0xc: {  	[smem:$0x3FB0] =	sst s4  }
0xd: {  	[smem:$0x3FB1] =	sst s5  }
0xe: {  	[smem:$0x3FB2] =	sst s6  }
0xf: {  	[smem:$0x3FB3] =	sst s7  }
0x10: {  	[smem:$0x3FB4] =	sst s8  }
0x11: {  	[smem:$0x3FB5] =	sst s9;
	s0 =	simm.s32 @!p0 $0x0  }
0x12: {  	s1 =	sld [smem:$0x3F9B];
	s0 =	simm.s32 @p0 $0x1  }
0x13: {  	[smem:$0x3FB6] =	sst s0;
	s0 =	simm.s32 @!p1 $0x0  }
0x14: {  	s2 =	sld [smem:$0x3F9A];
	s0 =	simm.s32 @p1 $0x1  }
0x15: {  	[smem:$0x3FB7] =	sst s0;
	s0 =	simm.s32 @!p2 $0x0  }
0x16: {  	s3 =	sld [smem:$0x3FDB];
	s0 =	simm.s32 @p2 $0x1  }
0x17: {  	s4 =	simm.s32 $0x1BF5;
	[smem:$0x3FB9] =	sst s0  }
0x18: {  	s0 =	sld [smem:$0x3F9C];
	_ =	swait.ge [sflag:s4], $0x0  }
0x19: {  	s7 =	sld [smem:$0x3F9D]  }
0x1a: {  	s8 =	sadd.s32 $0xFFFFE003, lr  }
0x1b: {  	s9 =	sadd.s32 $0xFFFFFEF7, lr;
	s5 =	simm.s32 $0xFFFFFFFF;
	p2 =	slt.u32 s8, $0xFFFFF086  }
0x1c: {  	p1 =	slt.u32 s9, $0xF7A;
	s5 =	simm.s32 @!p2 $0x0  }
0x1d: {  	s5 =	simm.s32 @p1 $0x1;
	p0 =	seq.s32 s7, s2  }
0x1e: {  	s7 =	smul.u32 @!p0 $0xF7A, s2;
	p2 =	seq.s32 @!p0 s5, $0x0  }
0x1f: {  	s9 =	smul.u32 $0xF7A, s1;
	s8 =	simm.s32 @!p0 $0x1BF5;
	p2 =	por !p2, p0  }
0x20: {  	[sflag:s8] =	ssyncset.s32 @!p0 $0xFFFFF086;
	s6 =	sadd.s32 @!p0 s3, s7;
	s7 =	simm.s32 @!p0 $0x108  }
0x21: {  	s3 =	sadd.s32 s3, s9;
	s6 =	sadd.s32 @!p0 $0x88, s6;
	s7 =	simm.s32 @p2 $0x1082  }
0x22: {  	[simem:s7], [sflag:s8] =	dma.local @!p0 [hbm:s6], $0xF7A  }
0x23: {  	s9 =	sor.u32 $0xD0000000, s2;
	s6 =	simm.s32 $0x108;
	_ =	swait.ge @!p0 [sflag:s8], $0x0  }
0x24: {  	s3 =	sadd.s32 $0x88, s3;
	s6 =	simm.s32 @!p1 $0x1082;
	[sflag:s4] =	ssyncset.s32 $0xFFFFF086  }
0x25: {  	[simem:s6], [sflag:s4] =	dma.local [hbm:s3], $0xF7A  }
0x26: {  	[smem:$0x3F9D] =	sst s1;
	(tag) =	ssettag s2;
	_ =	strace s9  }
0x27: {  	s1 =	sld [smem:$0x3FAD]  }
0x28: {  	s2 =	sld [smem:$0x3FAE]  }
0x29: {  	s4 =	sld [smem:$0x3FB0]  }
0x2a: {  	p0 =	seq.s32 s5, $0x0;
	s5 =	sld [smem:$0x3FB1]  }
0x2b: {  	s6 =	sld [smem:$0x3FB2]  }
0x2c: {  	s7 =	sld [smem:$0x3FB3]  }
0x2d: {  	s3 =	simm.s32 $0x108;
	s8 =	sld [smem:$0x3FB4]  }
0x2e: {  	s3 =	simm.s32 @!p0 $0x1082;
	s9 =	sld [smem:$0x3FB5]  }
0x2f: {  	lr =	sadd.s32 s0, s3;
	s0 =	sld [smem:$0x3FAC]  }
0x30: {  	s3 =	sld [smem:$0x3FAF]  }
0x31: {  	[smem:$0x3FB8] =	sst s10  }
0x32: {  	s10 =	sld [smem:$0x3FB6];
	_ =	sdelay $0x3  }
0x33: {  	p0 =	seq.s32 s10, $0x1;
	s10 =	sld [smem:$0x3FB8];
	_ =	sdelay $0x3  }
0x34: {  	[smem:$0x3FB8] =	sst s10  }
0x35: {  	s10 =	sld [smem:$0x3FB7];
	_ =	sdelay $0x3  }
0x36: {  	p1 =	seq.s32 s10, $0x1;
	s10 =	sld [smem:$0x3FB8];
	_ =	sdelay $0x3  }
0x37: {  	[smem:$0x3FB8] =	sst s10  }
0x38: {  	s10 =	sld [smem:$0x3FB9]  }
0x39: {  	_ = 	snop;
	(pc) =	sbr.ind lr, $3  }
0x3a: {  	_ = 	snop  }
0x3b: {  	_ = 	snop  }
0x3c: {  	p2 =	seq.s32 s10, $0x1;
	s10 =	sld [smem:$0x3FB8]  }
0x3d: {  	_ =	shalt  }
0x3e: {  	_ =	shalt  }
0x3f: {  	_ =	shalt  }
0x40: {  	_ =	shalt  }
0x41: {  	_ =	shalt  }
0x42: {  	_ =	shalt  }
0x43: {  	_ =	shalt  }
0x44: {  	_ =	shalt  }
0x45: {  	_ =	shalt  }
0x46: {  	_ =	shalt  }
0x47: {  	_ =	shalt  }
0x48: {  	_ =	shalt  }
0x49: {  	_ =	shalt  }
0x4a: {  	_ =	shalt  }
0x4b: {  	_ =	shalt  }
0x4c: {  	_ =	shalt  }
0x4d: {  	_ =	shalt  }
0x4e: {  	_ =	shalt  }
0x4f: {  	_ =	shalt  }
0x50: {  	_ =	shalt  }
0x51: {  	_ =	shalt  }
0x52: {  	_ =	shalt  }
0x53: {  	_ =	shalt  }
0x54: {  	_ =	shalt  }
0x55: {  	_ =	shalt  }
0x56: {  	_ =	shalt  }
0x57: {  	_ =	shalt  }
0x58: {  	_ =	shalt  }
0x59: {  	_ =	shalt  }
0x5a: {  	_ =	shalt  }
0x5b: {  	_ =	shalt  }
0x5c: {  	_ =	shalt  }
0x5d: {  	_ =	shalt  }
0x5e: {  	_ =	shalt  }
0x5f: {  	_ =	shalt  }
0x60: {  	_ =	shalt  }
0x61: {  	_ =	shalt  }
0x62: {  	_ =	shalt  }
0x63: {  	_ =	shalt  }
0x64: {  	_ =	shalt  }
0x65: {  	_ =	shalt  }
0x66: {  	_ =	shalt  }
0x67: {  	_ =	shalt  }
0x68: {  	_ =	shalt  }
0x69: {  	_ =	shalt  }
0x6a: {  	_ =	shalt  }
0x6b: {  	_ =	shalt  }
0x6c: {  	_ =	shalt  }
0x6d: {  	_ =	shalt  }
0x6e: {  	_ =	shalt  }
0x6f: {  	_ =	shalt  }
0x70: {  	_ =	shalt  }
0x71: {  	_ =	shalt  }
0x72: {  	_ =	shalt  }
0x73: {  	_ =	shalt  }
0x74: {  	_ =	shalt  }
0x75: {  	_ =	shalt  }
0x76: {  	_ =	shalt  }
0x77: {  	_ =	shalt  }
0x78: {  	_ =	shalt  }
0x79: {  	_ =	shalt  }
0x7a: {  	_ =	shalt  }
0x7b: {  	_ =	shalt  }
0x7c: {  	_ =	shalt  }
0x7d: {  	_ =	shalt  }
0x7e: {  	_ =	shalt  }
0x7f: {  	_ =	shalt  }
0x80: {  	_ =	shalt  }
0x81: {  	_ =	shalt  }
0x82: {  	_ =	shalt  }
0x83: {  	_ =	shalt  }
0x84: {  	_ =	shalt  }
0x85: {  	_ =	shalt  }
0x86: {  	_ =	shalt  }
0x87: {  	_ =	shalt  }
.Lfunc_end0:
.L_simem_size_0:
called_computation.1_lowered:
.L_overlay_start_0:
0x88: {  	s2 =	sld [smem:$0x3FD9]  }
0x89: {  	s3 =	sld [smem:$0x3FFE];
	_ =	sdelay $0x1  }
0x8a: {  	s1 =	srdreg.scid  }
0x8b: {  	s0 =	sand.u32 $0x1, s1  }
0x8c: {  	s17 =	sshll.u32 s0, $0xA;
	s2 =	sadd.s32 s3, s2  }
0x8d: {  	s2 =	sadd.s32 s2, s17  }
0x8e: {  	[smem:$0x3FC4] =	sst s2  }
0x8f: {  	_ = 	snop  }
0x90: {  	s18 =	sld [smem:$0x3FD0];
	(tm) =	ssettm $0x1  }
0x91: {  	s19 =	sld [smem:$0x3FFB];
	_ =	sdelay $0x3  }
0x92: {  	_ =	strace s19  }
0x93: {  	s2 =	sld [smem:$0x3FFC];
	_ =	sdelay $0x3  }
0x94: {  	_ =	strace s2  }
0x95: {  	s2 =	sld [smem:$0x3FFD];
	_ =	sdelay $0x3  }
0x96: {  	_ =	strace s2  }
0x97: {  	_ =	strace $0x8FFFFFFF  }
0x98: {  	s20 =	sld [smem:$0x3FDB];
	_ =	sdelay $0x1  }
0x99: {  	s4 =	simm.s32 $_scs_section_size  }
0x9a: {  	s5 =	simm.s32 $_size__tile_overlayer_lowered;
	s6 =	simm.s32 $_tile_overlayer_lowered  }
0x9b: {  	s7 =	simm.s32 $0x1BFF;
	s21 =	sshll.u32 s6, $0x1;
	s4 =	sadd.s32 s4, s20  }
0x9c: {  	s22 =	simm.s32 $0x0;
	s5 =	sshll.u32 s5, $0x1;
	s6 =	sadd.s32 s21, s4  }
0x9d: {  	[timem:s22], [sflag:s7] =	dma.local [hbm:s6], s5  }
0x9e: {  	_ =	swait.ge [sflag:s7], s5  }
0x9f: {  	s5 =	ssub.s32 $0x0, s5;
	[sflag:s7] =	ssyncset.done $0x0  }
0xa0: {  	[sflag:s7] =	ssyncadd.s32 s5;
	_ =	sdelay $0x1  }
0xa1: {  	s23 =	simm.s32 $0x1B8B  }
0xa2: {  	_ =	swait.ge [sflag:s23], $0x1  }
0xa3: {  	[sflag:s23] =	ssyncset.done $0x0  }
0xa4: {  	[sflag:s23] =	ssyncadd.s32 $0xFFFFFFFF  }
0xa5: {  	s5 =	sld [smem:$0x0]  }
0xa6: {  	s6 =	sand.u32 $0xFFFFFFFE, s1  }
0xa7: {  	p0 =	sne.s32 s1, s6  }
0xa8: {  	s6 =	sshll.u32 @p0 s6, $0xE  }
0xa9: {  	s6 =	sadd.s32 @p0 $0x11B8D, s6;
	s7 =	sshll.u32 @p0 s5, $0x11  }
0xaa: {  	s6 =	sor.u32 @p0 s7, s6  }
0xab: {  	[sflag:s6] =	ssyncadd.remote.s32 @p0 $0x1;
	_ =	sdelay $0x1  }
0xac: {  	s6 =	simm.s32 @p0 $0x1B8D  }
0xad: {  	_ =	swait.eq @p0 [sflag:s6], $0x1  }
0xae: {  	[sflag:s6] =	ssyncadd.s32 @p0 $0xFFFFFFFF  }
0xaf: {  	s7 =	sshll.u32 @!p0 s1, $0xE  }
0xb0: {  	s7 =	sor.u32 @!p0 $0x4000, s7;
	s6 =	simm.s32 @!p0 $0x1B8D  }
0xb1: {  	s5 =	sshll.u32 @!p0 s5, $0x11;
	s7 =	sadd.s32 @!p0 $0x11B8D, s7;
	_ =	swait.eq @!p0 [sflag:s6], $0x1  }
0xb2: {  	s5 =	sor.u32 @!p0 s5, s7;
	[sflag:s6] =	ssyncadd.s32 @!p0 $0xFFFFFFFF  }
0xb3: {  	s25 =	simm.s32 $0x1B8E;
	s24 =	sld [smem:$0x3FFE];
	[sflag:s5] =	ssyncadd.remote.s32 @!p0 $0x1  }
0xb4: {  	s26 =	simm.s32 $execute0_lowered;
	[smem:$0x3FD2] =	sst s25  }
0xb5: {  	s6 =	sshll.u32 s26, $0x1;
	_ =	strace $0x80000049;
	[dreg:$0x1] =	wrdreg $0xFFFFFFFF  }
0xb6: {  	s28 =	simm.s32 $_size_execute0_lowered;
	s4 =	sadd.s32 s4, s6;
	[dreg:$0x0] =	wrdreg $0x0  }
0xb7: {  	s6 =	sshll.u32 s28, $0x1;
	[dreg:$0x2] =	wrdreg s4  }
0xb8: {  	[dreg:$0x3] =	wrdreg s6  }
0xb9: {  	[dreg:$0x4] =	wrdreg $0xC0  }
0xba: {  	_ =	task [dreg:s22], $0x5FFFF  }
0xbb: {  	[dreg:$0x1] =	wrdreg $0xFFFFFFFF  }
0xbc: {  	[dreg:$0x0] =	wrdreg $0x60  }
0xbd: {  	[dreg:$0x2] =	wrdreg s24  }
0xbe: {  	[dreg:$0x3] =	wrdreg s18  }
0xbf: {  	[dreg:$0x4] =	wrdreg $0xA  }
0xc0: {  	_ =	task.clear_ibuf [dreg:s22], $0x5FFFF;
	_ =	strace $0x90000049  }
0xc1: {  	s29 =	simm.s32 $0xA;
	_ =	strace $0x8000004B  }
0xc2: {  	_ =	swait.ge [sflag:s29], $0x1  }
0xc3: {  	[sflag:s29] =	ssyncadd.s32 $0xFFFFFFFF  }
0xc4: {  	_ =	strace $0x9000004B  }
0xc5: {  	_ =	sfence  }
0xc6: {  	s30 =	sld [smem:$0x0];
	_ =	sdelay $0x2  }
0xc7: {  	s31 =	sshll.u32 s1, $0xD;
	s1 =	sshrl.u32 s1, $0x2  }
0xc8: {  	s4 =	sand.u32 $0x4000, s31;
	s1 =	sadd.s32 s1, s30  }
0xc9: {  	s0 =	sor.u32 s4, s0;
	s1 =	sshll.u32 s1, $0x11  }
0xca: {  	s0 =	sor.u32 s1, s0  }
0xcb: {  	s0 =	sadd.s32 $0x8F2B, s0  }
0xcc: {  	[sflag:s0] =	ssyncadd.remote.s32 $0x1  }
0xcd: {  	_ =	sfence.sel $0xFFFF  }
0xce: {  	[dreg:$0x0] =	wrdreg $0xFFFFFFFF;
	(pc) =	sbr.abs _section_cstart, $3  }
0xcf: {  	[dreg:$0x1] =	wrdreg $0xFFFFFFFF  }
0xd0: {  	_ =	task.clear_ibuf [dreg:s22], $0x2FFFF;
	_ =	strace $0x9FFFFFFF  }
0xd1: {  	(tm) =	ssettm $0x7FFFFFFF  }
tec
execute0_lowered:
.L_overlay_start_1:
0x0: {  	(tag) =	ssettag $0x1  }
0x1: {  	s9 =	rddreg [dreg:$0x0]  }
0x2: {  	s1 =	srdreg.scid;
	s0 =	stileid.u32  }
0x3: {  	s5 =	rddreg [dreg:$0x1];
	s2 =	simm.s32 $0x0;
	s11 =	simm.s32 $0x2  }
0x4: {  	s12 =	simm.s32 $0x80;
	s13 =	simm.s32 $0x5A00;
	s14 =	simm.s32 $0x9A00  }
0x5: {  	s15 =	simm.s32 $0xDA00;
	s16 =	simm.s32 $0x1;
	s17 =	simm.s32 $0x0  }
0x6: {  	s3 =	sand.u32 $0x1, s1;
	s4 =	sshll.u32 s0, $0x1;
	[smem:$0x7FF] =	sst s2  }
0x7: {  	s1 =	rddreg [dreg:$0x2];
	s6 =	sor.u32 s3, s4;
	_ =	strace $0x8000004A  }
0x8: {  	s7 =	ssub.s32 $0x2, s3;
	s3 =	sadd.s32 $0x27B8A00, s9;
	s8 =	smul.u32 $0x340, s6  }
0x9: {  	s4 =	sadd.s32 $0x1A7800, s9;
	s10 =	sshrl.u32 s7, $0x1;
	s6 =	smul.u32 $0xD000, s6  }
0xa: {  	s10 =	ssub.s32 s7, s10;
	s7 =	sadd.s32 $0x1A7C00, s9;
	s5 =	sadd.s32 s5, s8  }
0xb: {  	s8 =	sadd.s32 $0x1A8000, s9;
	s9 =	sadd.s32 $0x1A8400, s9;
	s10 =	smax.u32 s10, $0x1  }
.LBB2_1:
0xc: {  	[tilespmem:s2], [sflag:$0x2] =	stream.linear.gather [hbm4b:s5+s2], $0x1A00, $0x38;
	[tilespmem:$0x11A00] =	vst v63  }
0xd: {  	_ =	swait.ge [sflag:s11], $0x1A00  }
0xe: {  	[sflag:s11] =	ssyncset.done $0x0  }
0xf: {  	s18 =	simm.s32 $0x0;
	[sflag:s11] =	ssyncadd.s32 $0xFFFFE600  }
.LBB2_2:
0x10: {  	s19 =	sshll.u32 s18, $0x9  }
0x11: {  	s20 =	simm.s32 $0x1A00;
	s19 =	sand.u32 $0x3FFFFE00, s19  }
0x12: {  	[tilespmem:s20], [sflag:$0x1] =	stream.indirect.gather [hbm4b:s3+s12], $0x80, s19, s12, $0xb8;
	[tilespmem:$0x11A00] =	vst v63  }
0x13: {  	s21 =	sor.u32 $0x80, s19  }
0x14: {  	[tilespmem:s13], [sflag:$0x1] =	stream.indirect.gather [hbm4b:s3+s12], $0x80, s21, s12, $0xb8;
	[tilespmem:$0x11A00] =	vst v63  }
0x15: {  	s30 =	sor.u32 $0x100, s19  }
0x16: {  	[tilespmem:s14], [sflag:$0x1] =	stream.indirect.gather [hbm4b:s3+s12], $0x80, s30, s12, $0xb8;
	[tilespmem:$0x11A00] =	vst v63  }
0x17: {  	s19 =	sor.u32 $0x180, s19  }
0x18: {  	[tilespmem:s15], [sflag:$0x1] =	stream.indirect.gather [hbm4b:s3+s12], $0x80, s19, s12, $0xb8;
	[tilespmem:$0x11A00] =	vst v63  }
0x19: {  	_ =	swait.ge [sflag:s16], $0x4000  }
0x1a: {  	[sflag:s16] =	ssyncset.done $0x0  }
0x1b: {  	[sflag:s16] =	ssyncadd.s32 $0xFFFFC000  }
0x1c: {  	_ =	swait.ge [sflag:s16], $0x4000  }
0x1d: {  	[sflag:s16] =	ssyncset.done $0x0  }
0x1e: {  	[sflag:s16] =	ssyncadd.s32 $0xFFFFC000  }
0x1f: {  	_ =	swait.ge [sflag:s16], $0x4000  }
0x20: {  	[sflag:s16] =	ssyncset.done $0x0  }
0x21: {  	s31 =	sshll.u32 s18, $0xC;
	[sflag:s16] =	ssyncadd.s32 $0xFFFFC000  }
0x22: {  	s19 =	sadd.s32 s6, s31;
	_ =	swait.ge [sflag:s16], $0x4000  }
0x23: {  	s22 =	simm.s32 $0x8;
	s21 =	sadd.s32 s4, s19;
	[sflag:s16] =	ssyncset.done $0x0  }
0x24: {  	s23 =	simm.s32 $0x1A80;
	s24 =	sadd.s32 $0x0, s21;
	[sflag:s16] =	ssyncadd.s32 $0xFFFFC000  }
.LBB2_3:
0x25: {  	[hbm4b:s24+s2] =	stream.linear.scatter [tilespmem:s20], [sflag:$0x2], $0x40, $0x38;
	[tilespmem:$0x11A00] =	vst v63  }
0x26: {  	s24 =	smov.u32 s22;
	s20 =	smov.u32 s23;
	p0 =	sne.s32 s22, $0x3F8  }
.Ltmp0:
0x27: {  	s22 =	sadd.s32 $0x8, s22;
	(pc) =	sbr.rel @p0 .LBB2_3-.Ltmp0, $2  }
0x28: {  	_ =	sdelay $0x2  }
0x29: {  	s23 =	sadd.s32 $0x80, s23;
	s24 =	sadd.s32 s24, s21  }
0x2a: {  	[hbm4b:s24+s2] =	stream.linear.scatter [tilespmem:s20], [sflag:$0x2], $0x40, $0x38;
	[tilespmem:$0x11A00] =	vst v63  }
0x2b: {  	s20 =	sadd.s32 s19, s7;
	_ =	swait.ge [sflag:s11], $0x2000  }
0x2c: {  	s21 =	simm.s32 $0x5A00;
	s22 =	simm.s32 $0x8;
	[sflag:s11] =	ssyncset.done $0x0  }
0x2d: {  	s23 =	simm.s32 $0x5A80;
	s24 =	sadd.s32 $0x0, s20;
	[sflag:s11] =	ssyncadd.s32 $0xFFFFE000  }
.LBB2_5:
0x2e: {  	[hbm4b:s24+s2] =	stream.linear.scatter [tilespmem:s21], [sflag:$0x2], $0x40, $0x38;
	[tilespmem:$0x11A00] =	vst v63  }
0x2f: {  	s24 =	smov.u32 s22;
	s21 =	smov.u32 s23;
	p0 =	sne.s32 s22, $0x3F8  }
.Ltmp1:
0x30: {  	s22 =	sadd.s32 $0x8, s22;
	(pc) =	sbr.rel @p0 .LBB2_5-.Ltmp1, $2  }
0x31: {  	_ =	sdelay $0x2  }
0x32: {  	s23 =	sadd.s32 $0x80, s23;
	s24 =	sadd.s32 s24, s20  }
0x33: {  	[hbm4b:s24+s2] =	stream.linear.scatter [tilespmem:s21], [sflag:$0x2], $0x40, $0x38;
	[tilespmem:$0x11A00] =	vst v63  }
0x34: {  	s20 =	sadd.s32 s19, s8;
	_ =	swait.ge [sflag:s11], $0x2000  }
0x35: {  	s21 =	simm.s32 $0x9A00;
	s22 =	simm.s32 $0x8;
	[sflag:s11] =	ssyncset.done $0x0  }
0x36: {  	s23 =	simm.s32 $0x9A80;
	s24 =	sadd.s32 $0x0, s20;
	[sflag:s11] =	ssyncadd.s32 $0xFFFFE000  }
.LBB2_7:
0x37: {  	[hbm4b:s24+s2] =	stream.linear.scatter [tilespmem:s21], [sflag:$0x2], $0x40, $0x38;
	[tilespmem:$0x11A00] =	vst v63  }
0x38: {  	s24 =	smov.u32 s22;
	s21 =	smov.u32 s23;
	p0 =	sne.s32 s22, $0x3F8  }
.Ltmp2:
0x39: {  	s22 =	sadd.s32 $0x8, s22;
	(pc) =	sbr.rel @p0 .LBB2_7-.Ltmp2, $2  }
0x3a: {  	_ =	sdelay $0x2  }
0x3b: {  	s23 =	sadd.s32 $0x80, s23;
	s24 =	sadd.s32 s24, s20  }
0x3c: {  	[hbm4b:s24+s2] =	stream.linear.scatter [tilespmem:s21], [sflag:$0x2], $0x40, $0x38;
	[tilespmem:$0x11A00] =	vst v63  }
0x3d: {  	s19 =	sadd.s32 s19, s9;
	_ =	swait.ge [sflag:s11], $0x2000  }
0x3e: {  	s20 =	simm.s32 $0xDA00;
	s21 =	simm.s32 $0x8;
	[sflag:s11] =	ssyncset.done $0x0  }
0x3f: {  	s22 =	simm.s32 $0xDA80;
	s23 =	sadd.s32 $0x0, s19;
	[sflag:s11] =	ssyncadd.s32 $0xFFFFE000  }
.LBB2_9:
0x40: {  	[hbm4b:s23+s2] =	stream.linear.scatter [tilespmem:s20], [sflag:$0x2], $0x40, $0x38;
	[tilespmem:$0x11A00] =	vst v63  }
0x41: {  	s23 =	smov.u32 s21;
	s20 =	smov.u32 s22;
	p0 =	sne.s32 s21, $0x3F8  }
.Ltmp3:
0x42: {  	s21 =	sadd.s32 $0x8, s21;
	(pc) =	sbr.rel @p0 .LBB2_9-.Ltmp3, $2  }
0x43: {  	_ =	sdelay $0x2  }
0x44: {  	s22 =	sadd.s32 $0x80, s22;
	s23 =	sadd.s32 s23, s19  }
0x45: {  	s18 =	sadd.s32 $0x1, s18  }
0x46: {  	p0 =	sne.s32 s18, $0xD  }
.Ltmp4:
0x47: {  	_ = 	snop;
	(pc) =	sbr.rel @p0 .LBB2_2-.Ltmp4, $4  }
0x48: {  	[hbm4b:s23+s2] =	stream.linear.scatter [tilespmem:s20], [sflag:$0x2], $0x40, $0x38;
	[tilespmem:$0x11A00] =	vst v63  }
0x49: {  	_ =	swait.ge [sflag:s11], $0x2000  }
0x4a: {  	[sflag:s11] =	ssyncset.done $0x0  }
0x4b: {  	[sflag:s11] =	ssyncadd.s32 $0xFFFFE000  }
0x4c: {  	s17 =	sadd.s32 $0x1, s17  }
0x4d: {  	p0 =	sne.s32 s17, s10  }
.Ltmp5:
0x4e: {  	_ = 	snop;
	(pc) =	sbr.rel @p0 .LBB2_1-.Ltmp5, $1  }
0x4f: {  	_ =	sdelay $0x3  }
0x50: {  	_ =	sfence.sel $0x180000  }
0x51: {  	[bflag:$0x0] =	sbarrier.arrive $0xFFFF  }
0x52: {  	p0 =	sne.s32 s0, $0x0;
	_ =	strace $0x9000004A  }
0x53: {  	s0 =	sadd.s32 @!p0 $0x100000, s1;
	[bflag:$0x2] =	sbarrier.arrive $0xFFFF  }
0x54: {  	[sflag:s0] =	ssyncadd.tile.s32 @!p0 $0x1;
	_ =	shalt  }
.Lfunc_end2:
_tile_overlayer_lowered:
.L_overlay_start_2:
0x55: {  	(tag) =	ssettag $0x2  }
0x56: {  	s0 =	rddreg [dreg:$0x0];
	s2 =	stileid.u32  }
0x57: {  	s1 =	rddreg [dreg:$0x1];
	p0 =	sne.s32 s2, $0x0  }
0x58: {  	s3 =	rddreg [dreg:$0x2];
	[bflag:$0x3] =	sbarrier.arrive $0xFFFF;
	s2 =	simm.s32 @!p0 $0x1C02  }
0x59: {  	[timem:s3], [sflag:s2] =	dma.local @!p0 [hbm:s0], s1  }
0x5a: {  	s0 =	simm.s32 @!p0 $0x2  }
0x5b: {  	_ =	swait.ge @!p0 [sflag:s0], s1  }
0x5c: {  	s1 =	ssub.s32 @!p0 $0x0, s1;
	[sflag:s0] =	ssyncset.done @!p0 $0x0  }
0x5d: {  	[sflag:s0] =	ssyncadd.s32 @!p0 s1  }
0x5e: {  	[bflag:$0x3] =	sbarrier.arrive $0xFFFF  }
0x5f: {  	_ =	shalt  }

// kernel: kernel.8.cloned.1.call-start
scs
__scs_entry_jumppad:
0x0: {  	(pc) =	sbr.rel $0x88, $3  }
0x1: {  	(tag) =	ssettag $0x0;
	lr =	simm.s32 $0x1  }
0x2: {  	[smem:$0x3F9D] =	sst lr;
	_ =	strace $0xD0000000  }
0x3: {  	_ = 	snop  }
0x4: {  	_ = 	snop  }
0x5: {  	_ = 	snop  }
0x6: {  	_ = 	snop  }
0x7: {  	_ = 	snop  }
__scs_overlays_trampoline_lowered:
0x8: {  	[smem:$0x3FAC] =	sst s0  }
0x9: {  	[smem:$0x3FAD] =	sst s1  }
0xa: {  	[smem:$0x3FAE] =	sst s2  }
0xb: {  	[smem:$0x3FAF] =	sst s3  }
0xc: {  	[smem:$0x3FB0] =	sst s4  }
0xd: {  	[smem:$0x3FB1] =	sst s5  }
0xe: {  	[smem:$0x3FB2] =	sst s6  }
0xf: {  	[smem:$0x3FB3] =	sst s7  }
0x10: {  	[smem:$0x3FB4] =	sst s8  }
0x11: {  	[smem:$0x3FB5] =	sst s9;
	s0 =	simm.s32 @!p0 $0x0  }
0x12: {  	s1 =	sld [smem:$0x3F9B];
	s0 =	simm.s32 @p0 $0x1  }
0x13: {  	[smem:$0x3FB6] =	sst s0;
	s0 =	simm.s32 @!p1 $0x0  }
0x14: {  	s2 =	sld [smem:$0x3F9A];
	s0 =	simm.s32 @p1 $0x1  }
0x15: {  	[smem:$0x3FB7] =	sst s0;
	s0 =	simm.s32 @!p2 $0x0  }
0x16: {  	s3 =	sld [smem:$0x3FDB];
	s0 =	simm.s32 @p2 $0x1  }
0x17: {  	s4 =	simm.s32 $0x1BF5;
	[smem:$0x3FB9] =	sst s0  }
0x18: {  	s0 =	sld [smem:$0x3F9C];
	_ =	swait.ge [sflag:s4], $0x0  }
0x19: {  	s7 =	sld [smem:$0x3F9D]  }
0x1a: {  	s8 =	sadd.s32 $0xFFFFE003, lr  }
0x1b: {  	s9 =	sadd.s32 $0xFFFFFEF7, lr;
	s5 =	simm.s32 $0xFFFFFFFF;
	p2 =	slt.u32 s8, $0xFFFFF086  }
0x1c: {  	p1 =	slt.u32 s9, $0xF7A;
	s5 =	simm.s32 @!p2 $0x0  }
0x1d: {  	s5 =	simm.s32 @p1 $0x1;
	p0 =	seq.s32 s7, s2  }
0x1e: {  	s7 =	smul.u32 @!p0 $0xF7A, s2;
	p2 =	seq.s32 @!p0 s5, $0x0  }
0x1f: {  	s9 =	smul.u32 $0xF7A, s1;
	s8 =	simm.s32 @!p0 $0x1BF5;
	p2 =	por !p2, p0  }
0x20: {  	[sflag:s8] =	ssyncset.s32 @!p0 $0xFFFFF086;
	s6 =	sadd.s32 @!p0 s3, s7;
	s7 =	simm.s32 @!p0 $0x108  }
0x21: {  	s3 =	sadd.s32 s3, s9;
	s6 =	sadd.s32 @!p0 $0x88, s6;
	s7 =	simm.s32 @p2 $0x1082  }
0x22: {  	[simem:s7], [sflag:s8] =	dma.local @!p0 [hbm:s6], $0xF7A  }
0x23: {  	s9 =	sor.u32 $0xD0000000, s2;
	s6 =	simm.s32 $0x108;
	_ =	swait.ge @!p0 [sflag:s8], $0x0  }
0x24: {  	s3 =	sadd.s32 $0x88, s3;
	s6 =	simm.s32 @!p1 $0x1082;
	[sflag:s4] =	ssyncset.s32 $0xFFFFF086  }
0x25: {  	[simem:s6], [sflag:s4] =	dma.local [hbm:s3], $0xF7A  }
0x26: {  	[smem:$0x3F9D] =	sst s1;
	(tag) =	ssettag s2;
	_ =	strace s9  }
0x27: {  	s1 =	sld [smem:$0x3FAD]  }
0x28: {  	s2 =	sld [smem:$0x3FAE]  }
0x29: {  	s4 =	sld [smem:$0x3FB0]  }
0x2a: {  	p0 =	seq.s32 s5, $0x0;
	s5 =	sld [smem:$0x3FB1]  }
0x2b: {  	s6 =	sld [smem:$0x3FB2]  }
0x2c: {  	s7 =	sld [smem:$0x3FB3]  }
0x2d: {  	s3 =	simm.s32 $0x108;
	s8 =	sld [smem:$0x3FB4]  }
0x2e: {  	s3 =	simm.s32 @!p0 $0x1082;
	s9 =	sld [smem:$0x3FB5]  }
0x2f: {  	lr =	sadd.s32 s0, s3;
	s0 =	sld [smem:$0x3FAC]  }
0x30: {  	s3 =	sld [smem:$0x3FAF]  }
0x31: {  	[smem:$0x3FB8] =	sst s10  }
0x32: {  	s10 =	sld [smem:$0x3FB6];
	_ =	sdelay $0x3  }
0x33: {  	p0 =	seq.s32 s10, $0x1;
	s10 =	sld [smem:$0x3FB8];
	_ =	sdelay $0x3  }
0x34: {  	[smem:$0x3FB8] =	sst s10  }
0x35: {  	s10 =	sld [smem:$0x3FB7];
	_ =	sdelay $0x3  }
0x36: {  	p1 =	seq.s32 s10, $0x1;
	s10 =	sld [smem:$0x3FB8];
	_ =	sdelay $0x3  }
0x37: {  	[smem:$0x3FB8] =	sst s10  }
0x38: {  	s10 =	sld [smem:$0x3FB9]  }
0x39: {  	_ = 	snop;
	(pc) =	sbr.ind lr, $3  }
0x3a: {  	_ = 	snop  }
0x3b: {  	_ = 	snop  }
0x3c: {  	p2 =	seq.s32 s10, $0x1;
	s10 =	sld [smem:$0x3FB8]  }
0x3d: {  	_ =	shalt  }
0x3e: {  	_ =	shalt  }
0x3f: {  	_ =	shalt  }
0x40: {  	_ =	shalt  }
0x41: {  	_ =	shalt  }
0x42: {  	_ =	shalt  }
0x43: {  	_ =	shalt  }
0x44: {  	_ =	shalt  }
0x45: {  	_ =	shalt  }
0x46: {  	_ =	shalt  }
0x47: {  	_ =	shalt  }
0x48: {  	_ =	shalt  }
0x49: {  	_ =	shalt  }
0x4a: {  	_ =	shalt  }
0x4b: {  	_ =	shalt  }
0x4c: {  	_ =	shalt  }
0x4d: {  	_ =	shalt  }
0x4e: {  	_ =	shalt  }
0x4f: {  	_ =	shalt  }
0x50: {  	_ =	shalt  }
0x51: {  	_ =	shalt  }
0x52: {  	_ =	shalt  }
0x53: {  	_ =	shalt  }
0x54: {  	_ =	shalt  }
0x55: {  	_ =	shalt  }
0x56: {  	_ =	shalt  }
0x57: {  	_ =	shalt  }
0x58: {  	_ =	shalt  }
0x59: {  	_ =	shalt  }
0x5a: {  	_ =	shalt  }
0x5b: {  	_ =	shalt  }
0x5c: {  	_ =	shalt  }
0x5d: {  	_ =	shalt  }
0x5e: {  	_ =	shalt  }
0x5f: {  	_ =	shalt  }
0x60: {  	_ =	shalt  }
0x61: {  	_ =	shalt  }
0x62: {  	_ =	shalt  }
0x63: {  	_ =	shalt  }
0x64: {  	_ =	shalt  }
0x65: {  	_ =	shalt  }
0x66: {  	_ =	shalt  }
0x67: {  	_ =	shalt  }
0x68: {  	_ =	shalt  }
0x69: {  	_ =	shalt  }
0x6a: {  	_ =	shalt  }
0x6b: {  	_ =	shalt  }
0x6c: {  	_ =	shalt  }
0x6d: {  	_ =	shalt  }
0x6e: {  	_ =	shalt  }
0x6f: {  	_ =	shalt  }
0x70: {  	_ =	shalt  }
0x71: {  	_ =	shalt  }
0x72: {  	_ =	shalt  }
0x73: {  	_ =	shalt  }
0x74: {  	_ =	shalt  }
0x75: {  	_ =	shalt  }
0x76: {  	_ =	shalt  }
0x77: {  	_ =	shalt  }
0x78: {  	_ =	shalt  }
0x79: {  	_ =	shalt  }
0x7a: {  	_ =	shalt  }
0x7b: {  	_ =	shalt  }
0x7c: {  	_ =	shalt  }
0x7d: {  	_ =	shalt  }
0x7e: {  	_ =	shalt  }
0x7f: {  	_ =	shalt  }
0x80: {  	_ =	shalt  }
0x81: {  	_ =	shalt  }
0x82: {  	_ =	shalt  }
0x83: {  	_ =	shalt  }
0x84: {  	_ =	shalt  }
0x85: {  	_ =	shalt  }
0x86: {  	_ =	shalt  }
0x87: {  	_ =	shalt  }
.Lfunc_end0:
.L_simem_size_0:
called_computation_lowered:
.L_overlay_start_0:
0x88: {  	s2 =	sld [smem:$0x3FD9]  }
0x89: {  	s3 =	sld [smem:$0x3FFE];
	_ =	sdelay $0x1  }
0x8a: {  	s1 =	srdreg.scid  }
0x8b: {  	s0 =	sand.u32 $0x1, s1  }
0x8c: {  	s16 =	sshll.u32 s0, $0xA;
	s2 =	sadd.s32 s3, s2  }
0x8d: {  	s2 =	sadd.s32 s2, s16  }
0x8e: {  	[smem:$0x3FC4] =	sst s2  }
0x8f: {  	_ = 	snop  }
0x90: {  	(tm) =	ssettm $0x1  }
0x91: {  	s17 =	sld [smem:$0x3FFB];
	_ =	sdelay $0x3  }
0x92: {  	_ =	strace s17  }
0x93: {  	s2 =	sld [smem:$0x3FFC];
	_ =	sdelay $0x3  }
0x94: {  	_ =	strace s2  }
0x95: {  	s2 =	sld [smem:$0x3FFD];
	_ =	sdelay $0x3  }
0x96: {  	_ =	strace s2  }
0x97: {  	_ =	strace $0x8FFFFFFF  }
0x98: {  	s18 =	sld [smem:$0x3FDB];
	_ =	sdelay $0x1  }
0x99: {  	s19 =	simm.s32 $_scs_section_size  }
0x9a: {  	s4 =	simm.s32 $_size__tile_overlayer_lowered;
	s5 =	simm.s32 $_tile_overlayer_lowered  }
0x9b: {  	s22 =	simm.s32 $0x1BFF;
	s21 =	sshll.u32 s5, $0x1;
	s2 =	sadd.s32 s19, s18  }
0x9c: {  	s6 =	simm.s32 $0x0;
	s20 =	sshll.u32 s4, $0x1;
	s4 =	sadd.s32 s21, s2  }
0x9d: {  	[timem:s6], [sflag:s22] =	dma.local [hbm:s4], s20  }
0x9e: {  	_ =	swait.ge [sflag:s22], s20  }
0x9f: {  	s3 =	ssub.s32 $0x0, s20;
	[sflag:s22] =	ssyncset.done $0x0  }
0xa0: {  	[sflag:s22] =	ssyncadd.s32 s3;
	_ =	sdelay $0x1  }
0xa1: {  	s23 =	simm.s32 $0x1B8B  }
0xa2: {  	_ =	swait.ge [sflag:s23], $0x1  }
0xa3: {  	[sflag:s23] =	ssyncset.done $0x0  }
0xa4: {  	s25 =	simm.s32 $0x1B8E;
	s24 =	sld [smem:$0x3FFE];
	[sflag:s23] =	ssyncadd.s32 $0xFFFFFFFF  }
0xa5: {  	s26 =	simm.s32 $execute0_lowered;
	[smem:$0x3FD2] =	sst s25  }
0xa6: {  	s4 =	sshll.u32 s26, $0x1;
	_ =	strace $0x80000046;
	[dreg:$0x1] =	wrdreg $0xFFFFFFFF  }
0xa7: {  	s28 =	simm.s32 $_size_execute0_lowered;
	s2 =	sadd.s32 s2, s4;
	[dreg:$0x0] =	wrdreg $0x0  }
0xa8: {  	s4 =	sshll.u32 s28, $0x1;
	[dreg:$0x2] =	wrdreg s2  }
0xa9: {  	[dreg:$0x3] =	wrdreg s4  }
0xaa: {  	[dreg:$0x4] =	wrdreg $0xC0  }
0xab: {  	_ =	task [dreg:s6], $0x5FFFF  }
0xac: {  	[dreg:$0x1] =	wrdreg $0xFFFFFFFF  }
0xad: {  	[dreg:$0x0] =	wrdreg $0x60  }
0xae: {  	[dreg:$0x2] =	wrdreg s24  }
0xaf: {  	[dreg:$0x3] =	wrdreg $0x9  }
0xb0: {  	_ =	task.clear_ibuf [dreg:s6], $0x4FFFF;
	_ =	strace $0x90000046  }
0xb1: {  	s29 =	simm.s32 $0x9;
	_ =	strace $0x80000048  }
0xb2: {  	_ =	swait.ge [sflag:s29], $0x1  }
0xb3: {  	[sflag:s29] =	ssyncadd.s32 $0xFFFFFFFF  }
0xb4: {  	_ =	strace $0x90000048  }
0xb5: {  	_ =	sfence  }
0xb6: {  	s30 =	sld [smem:$0x0];
	_ =	sdelay $0x2  }
0xb7: {  	s31 =	sshll.u32 s1, $0xD;
	s1 =	sshrl.u32 s1, $0x2  }
0xb8: {  	s3 =	sand.u32 $0x4000, s31;
	s1 =	sadd.s32 s1, s30  }
0xb9: {  	s0 =	sor.u32 s3, s0;
	s1 =	sshll.u32 s1, $0x11  }
0xba: {  	s0 =	sor.u32 s1, s0  }
0xbb: {  	s0 =	sadd.s32 $0x8F2B, s0  }
0xbc: {  	[sflag:s0] =	ssyncadd.remote.s32 $0x1  }
0xbd: {  	_ =	sfence.sel $0xFFFF  }
0xbe: {  	[dreg:$0x0] =	wrdreg $0xFFFFFFFF;
	(pc) =	sbr.abs _section_cstart, $3  }
0xbf: {  	[dreg:$0x1] =	wrdreg $0xFFFFFFFF  }
0xc0: {  	_ =	task.clear_ibuf [dreg:s6], $0x2FFFF;
	_ =	strace $0x9FFFFFFF  }
0xc1: {  	(tm) =	ssettm $0x7FFFFFFF  }
tec
execute0_lowered:
.L_overlay_start_1:
0x0: {  	(tag) =	ssettag $0x1  }
0x1: {  	s1 =	srdreg.scid  }
0x2: {  	s0 =	stileid.u32;
	s9 =	rddreg [dreg:$0x0]  }
0x3: {  	s2 =	simm.s32 $0x0;
	s11 =	simm.s32 $0x2;
	s12 =	simm.s32 $0x80  }
0x4: {  	s13 =	simm.s32 $0x5A00;
	s14 =	simm.s32 $0x9A00;
	s15 =	simm.s32 $0xDA00  }
0x5: {  	s16 =	simm.s32 $0x1;
	s3 =	sand.u32 $0x1, s1;
	s1 =	rddreg [dreg:$0x1]  }
0x6: {  	s17 =	simm.s32 $0x0;
	s4 =	sshll.u32 s0, $0x1;
	[smem:$0x7FF] =	sst s2  }
0x7: {  	s6 =	sor.u32 s3, s4;
	_ =	strace $0x80000047;
	s5 =	ssub.s32 $0x2, s3  }
0x8: {  	s3 =	sadd.s32 $0x9F5000, s9;
	s4 =	smul.u32 $0x340, s6;
	s8 =	sshrl.u32 s5, $0x1  }
0x9: {  	s6 =	smul.u32 $0xD000, s6;
	s10 =	ssub.s32 s5, s8;
	s8 =	sadd.s32 $0x8000, s9  }
0xa: {  	s7 =	sadd.s32 s4, s9;
	s4 =	sadd.s32 $0x7800, s9;
	s10 =	smax.u32 s10, $0x1  }
0xb: {  	s5 =	sadd.s32 $0x1000, s7;
	s7 =	sadd.s32 $0x7C00, s9;
	s9 =	sadd.s32 $0x8400, s9  }
.LBB2_1:
0xc: {  	[tilespmem:s2], [sflag:$0x2] =	stream.linear.gather [hbm4b:s5+s2], $0x1A00, $0x38;
	[tilespmem:$0x11A00] =	vst v63  }
0xd: {  	_ =	swait.ge [sflag:s11], $0x1A00  }
0xe: {  	[sflag:s11] =	ssyncset.done $0x0  }
0xf: {  	s18 =	simm.s32 $0x0;
	[sflag:s11] =	ssyncadd.s32 $0xFFFFE600  }
.LBB2_2:
0x10: {  	s19 =	sshll.u32 s18, $0x9  }
0x11: {  	s20 =	simm.s32 $0x1A00;
	s19 =	sand.u32 $0x3FFFFE00, s19  }
0x12: {  	[tilespmem:s20], [sflag:$0x1] =	stream.indirect.gather [hbm4b:s3+s12], $0x80, s19, s12, $0xb8;
	[tilespmem:$0x11A00] =	vst v63  }
0x13: {  	s21 =	sor.u32 $0x80, s19  }
0x14: {  	[tilespmem:s13], [sflag:$0x1] =	stream.indirect.gather [hbm4b:s3+s12], $0x80, s21, s12, $0xb8;
	[tilespmem:$0x11A00] =	vst v63  }
0x15: {  	s30 =	sor.u32 $0x100, s19  }
0x16: {  	[tilespmem:s14], [sflag:$0x1] =	stream.indirect.gather [hbm4b:s3+s12], $0x80, s30, s12, $0xb8;
	[tilespmem:$0x11A00] =	vst v63  }
0x17: {  	s19 =	sor.u32 $0x180, s19  }
0x18: {  	[tilespmem:s15], [sflag:$0x1] =	stream.indirect.gather [hbm4b:s3+s12], $0x80, s19, s12, $0xb8;
	[tilespmem:$0x11A00] =	vst v63  }
0x19: {  	_ =	swait.ge [sflag:s16], $0x4000  }
0x1a: {  	[sflag:s16] =	ssyncset.done $0x0  }
0x1b: {  	[sflag:s16] =	ssyncadd.s32 $0xFFFFC000  }
0x1c: {  	_ =	swait.ge [sflag:s16], $0x4000  }
0x1d: {  	[sflag:s16] =	ssyncset.done $0x0  }
0x1e: {  	[sflag:s16] =	ssyncadd.s32 $0xFFFFC000  }
0x1f: {  	_ =	swait.ge [sflag:s16], $0x4000  }
0x20: {  	[sflag:s16] =	ssyncset.done $0x0  }
0x21: {  	s31 =	sshll.u32 s18, $0xC;
	[sflag:s16] =	ssyncadd.s32 $0xFFFFC000  }
0x22: {  	s19 =	sadd.s32 s6, s31;
	_ =	swait.ge [sflag:s16], $0x4000  }
0x23: {  	s22 =	simm.s32 $0x8;
	s21 =	sadd.s32 s4, s19;
	[sflag:s16] =	ssyncset.done $0x0  }
0x24: {  	s23 =	simm.s32 $0x1A80;
	s24 =	sadd.s32 $0x0, s21;
	[sflag:s16] =	ssyncadd.s32 $0xFFFFC000  }
.LBB2_3:
0x25: {  	[hbm4b:s24+s2] =	stream.linear.scatter [tilespmem:s20], [sflag:$0x2], $0x40, $0x38;
	[tilespmem:$0x11A00] =	vst v63  }
0x26: {  	s24 =	smov.u32 s22;
	s20 =	smov.u32 s23;
	p0 =	sne.s32 s22, $0x3F8  }
.Ltmp0:
0x27: {  	s22 =	sadd.s32 $0x8, s22;
	(pc) =	sbr.rel @p0 .LBB2_3-.Ltmp0, $2  }
0x28: {  	_ =	sdelay $0x2  }
0x29: {  	s23 =	sadd.s32 $0x80, s23;
	s24 =	sadd.s32 s24, s21  }
0x2a: {  	[hbm4b:s24+s2] =	stream.linear.scatter [tilespmem:s20], [sflag:$0x2], $0x40, $0x38;
	[tilespmem:$0x11A00] =	vst v63  }
0x2b: {  	s20 =	sadd.s32 s19, s7;
	_ =	swait.ge [sflag:s11], $0x2000  }
0x2c: {  	s21 =	simm.s32 $0x5A00;
	s22 =	simm.s32 $0x8;
	[sflag:s11] =	ssyncset.done $0x0  }
0x2d: {  	s23 =	simm.s32 $0x5A80;
	s24 =	sadd.s32 $0x0, s20;
	[sflag:s11] =	ssyncadd.s32 $0xFFFFE000  }
.LBB2_5:
0x2e: {  	[hbm4b:s24+s2] =	stream.linear.scatter [tilespmem:s21], [sflag:$0x2], $0x40, $0x38;
	[tilespmem:$0x11A00] =	vst v63  }
0x2f: {  	s24 =	smov.u32 s22;
	s21 =	smov.u32 s23;
	p0 =	sne.s32 s22, $0x3F8  }
.Ltmp1:
0x30: {  	s22 =	sadd.s32 $0x8, s22;
	(pc) =	sbr.rel @p0 .LBB2_5-.Ltmp1, $2  }
0x31: {  	_ =	sdelay $0x2  }
0x32: {  	s23 =	sadd.s32 $0x80, s23;
	s24 =	sadd.s32 s24, s20  }
0x33: {  	[hbm4b:s24+s2] =	stream.linear.scatter [tilespmem:s21], [sflag:$0x2], $0x40, $0x38;
	[tilespmem:$0x11A00] =	vst v63  }
0x34: {  	s20 =	sadd.s32 s19, s8;
	_ =	swait.ge [sflag:s11], $0x2000  }
0x35: {  	s21 =	simm.s32 $0x9A00;
	s22 =	simm.s32 $0x8;
	[sflag:s11] =	ssyncset.done $0x0  }
0x36: {  	s23 =	simm.s32 $0x9A80;
	s24 =	sadd.s32 $0x0, s20;
	[sflag:s11] =	ssyncadd.s32 $0xFFFFE000  }
.LBB2_7:
0x37: {  	[hbm4b:s24+s2] =	stream.linear.scatter [tilespmem:s21], [sflag:$0x2], $0x40, $0x38;
	[tilespmem:$0x11A00] =	vst v63  }
0x38: {  	s24 =	smov.u32 s22;
	s21 =	smov.u32 s23;
	p0 =	sne.s32 s22, $0x3F8  }
.Ltmp2:
0x39: {  	s22 =	sadd.s32 $0x8, s22;
	(pc) =	sbr.rel @p0 .LBB2_7-.Ltmp2, $2  }
0x3a: {  	_ =	sdelay $0x2  }
0x3b: {  	s23 =	sadd.s32 $0x80, s23;
	s24 =	sadd.s32 s24, s20  }
0x3c: {  	[hbm4b:s24+s2] =	stream.linear.scatter [tilespmem:s21], [sflag:$0x2], $0x40, $0x38;
	[tilespmem:$0x11A00] =	vst v63  }
0x3d: {  	s19 =	sadd.s32 s19, s9;
	_ =	swait.ge [sflag:s11], $0x2000  }
0x3e: {  	s20 =	simm.s32 $0xDA00;
	s21 =	simm.s32 $0x8;
	[sflag:s11] =	ssyncset.done $0x0  }
0x3f: {  	s22 =	simm.s32 $0xDA80;
	s23 =	sadd.s32 $0x0, s19;
	[sflag:s11] =	ssyncadd.s32 $0xFFFFE000  }
.LBB2_9:
0x40: {  	[hbm4b:s23+s2] =	stream.linear.scatter [tilespmem:s20], [sflag:$0x2], $0x40, $0x38;
	[tilespmem:$0x11A00] =	vst v63  }
0x41: {  	s23 =	smov.u32 s21;
	s20 =	smov.u32 s22;
	p0 =	sne.s32 s21, $0x3F8  }
.Ltmp3:
0x42: {  	s21 =	sadd.s32 $0x8, s21;
	(pc) =	sbr.rel @p0 .LBB2_9-.Ltmp3, $2  }
0x43: {  	_ =	sdelay $0x2  }
0x44: {  	s22 =	sadd.s32 $0x80, s22;
	s23 =	sadd.s32 s23, s19  }
0x45: {  	s18 =	sadd.s32 $0x1, s18  }
0x46: {  	p0 =	sne.s32 s18, $0xD  }
.Ltmp4:
0x47: {  	_ = 	snop;
	(pc) =	sbr.rel @p0 .LBB2_2-.Ltmp4, $4  }
0x48: {  	[hbm4b:s23+s2] =	stream.linear.scatter [tilespmem:s20], [sflag:$0x2], $0x40, $0x38;
	[tilespmem:$0x11A00] =	vst v63  }
0x49: {  	_ =	swait.ge [sflag:s11], $0x2000  }
0x4a: {  	[sflag:s11] =	ssyncset.done $0x0  }
0x4b: {  	[sflag:s11] =	ssyncadd.s32 $0xFFFFE000  }
0x4c: {  	s17 =	sadd.s32 $0x1, s17  }
0x4d: {  	p0 =	sne.s32 s17, s10  }
.Ltmp5:
0x4e: {  	_ = 	snop;
	(pc) =	sbr.rel @p0 .LBB2_1-.Ltmp5, $1  }
0x4f: {  	_ =	sdelay $0x3  }
0x50: {  	_ =	sfence.sel $0x180000  }
0x51: {  	[bflag:$0x0] =	sbarrier.arrive $0xFFFF  }
0x52: {  	p0 =	sne.s32 s0, $0x0;
	_ =	strace $0x90000047  }
0x53: {  	s0 =	sadd.s32 @!p0 $0x100000, s1;
	[bflag:$0x2] =	sbarrier.arrive $0xFFFF  }
0x54: {  	[sflag:s0] =	ssyncadd.tile.s32 @!p0 $0x1;
	_ =	shalt  }
.Lfunc_end2:
_tile_overlayer_lowered:
.L_overlay_start_2:
0x55: {  	(tag) =	ssettag $0x2  }
0x56: {  	s0 =	rddreg [dreg:$0x0];
	s2 =	stileid.u32  }
0x57: {  	s1 =	rddreg [dreg:$0x1];
	p0 =	sne.s32 s2, $0x0  }
0x58: {  	s3 =	rddreg [dreg:$0x2];
	[bflag:$0x3] =	sbarrier.arrive $0xFFFF;
	s2 =	simm.s32 @!p0 $0x1C02  }
0x59: {  	[timem:s3], [sflag:s2] =	dma.local @!p0 [hbm:s0], s1  }
0x5a: {  	s0 =	simm.s32 @!p0 $0x2  }
0x5b: {  	_ =	swait.ge @!p0 [sflag:s0], s1  }
0x5c: {  	s1 =	ssub.s32 @!p0 $0x0, s1;
	[sflag:s0] =	ssyncset.done @!p0 $0x0  }
0x5d: {  	[sflag:s0] =	ssyncadd.s32 @!p0 s1  }
0x5e: {  	[bflag:$0x3] =	sbarrier.arrive $0xFFFF  }
0x5f: {  	_ =	shalt  }

</sc_bundles>
